<compile_context>
chip_gen: v7x
topology: tpu7x:2x2x1
jax: 0.10.2.dev20260603
libtpu: 0.0.44.dev20260713+nightly
codegen_flags: <defaults>
</compile_context>

<pallas_src>
import functools

import jax
import jax.numpy as jnp
from jax.experimental import pallas as pl
from jax.experimental.pallas import tpu as pltpu

N = 10000
E = 320000
HEADS = 8
HID = 32
OUT = 128

N_PAD = 10240
B = 512
BW = B + 8
E_TOT = E + N
G = (E_TOT + B - 1) // B
E_PAD = G * B

NEG = -1e30


def _leaky(v):
    return jnp.where(v >= 0, v, 0.2 * v)



def _proj_body(x_ref, w_ref, b_ref, o_ref):
    h = jnp.dot(x_ref[...], w_ref[...], preferred_element_type=jnp.float32)
    o_ref[...] = _leaky(h + b_ref[...])


def _node_body(h_ref, w_ref, asrc_ref, adst_ref, h1_ref, as_ref, ad_ref):
    h1 = jnp.dot(h_ref[...], w_ref[...], preferred_element_type=jnp.float32)
    h1_ref[...] = h1
    as_ref[...] = jnp.dot(h1, asrc_ref[...], preferred_element_type=jnp.float32)
    ad_ref[...] = jnp.dot(h1, adst_ref[...], preferred_element_type=jnp.float32)


def _final_body(num_ref, den_ref, r_ref, b_ref, o_ref):
    denf = jnp.dot(den_ref[...], r_ref[...], preferred_element_type=jnp.float32)
    o_ref[...] = _leaky(num_ref[...] / (denf + 1e-16) + b_ref[...])



def _block_onehot(dst_ref, start):
    rel = dst_ref[...] - start
    cols = jax.lax.broadcasted_iota(jnp.int32, (B, BW), 1)
    return rel == cols


def _edge_logits(ase_ref, ad_ref, m_f32, start):
    ad_slice = ad_ref[pl.ds(start, BW), :]
    ad_e = jnp.dot(m_f32, ad_slice, preferred_element_type=jnp.float32)
    return _leaky(ase_ref[...] + ad_e)


def _max_body(ase_ref, dst_ref, ad_ref, starts_ref, mx_ref):
    g = pl.program_id(0)

    @pl.when(g == 0)
    def _():
        mx_ref[...] = jnp.full(mx_ref.shape, NEG, jnp.float32)

    start = starts_ref[g] * 8
    m = _block_onehot(dst_ref, start)
    e = _edge_logits(ase_ref, ad_ref, m.astype(jnp.float32), start)
    heads = e.shape[1]
    rows = [jnp.max(jnp.where(m, e[:, h:h + 1], NEG), axis=0, keepdims=True)
            for h in range(heads)]
    seg = jnp.concatenate(rows, axis=0).T
    mx_ref[pl.ds(start, BW), :] = jnp.maximum(mx_ref[pl.ds(start, BW), :], seg)


def _acc_body(ase_ref, dst_ref, h_ref, ad_ref, mx_ref, r_ref, starts_ref,
              den_ref, num_ref):
    g = pl.program_id(0)

    @pl.when(g == 0)
    def _():
        den_ref[...] = jnp.zeros(den_ref.shape, jnp.float32)
        num_ref[...] = jnp.zeros(num_ref.shape, jnp.float32)

    start = starts_ref[g] * 8
    m = _block_onehot(dst_ref, start)
    mf = m.astype(jnp.float32)
    e = _edge_logits(ase_ref, ad_ref, mf, start)
    mx_slice = mx_ref[pl.ds(start, BW), :]
    mx_e = jnp.dot(mf, mx_slice, preferred_element_type=jnp.float32)
    ex = jnp.exp(e - mx_e)
    exf = jnp.dot(ex, r_ref[...], preferred_element_type=jnp.float32)
    den_b = jnp.dot(mf.T, ex, preferred_element_type=jnp.float32)
    num_b = jnp.dot(mf.T, exf * h_ref[...], preferred_element_type=jnp.float32)
    den_ref[pl.ds(start, BW), :] = den_ref[pl.ds(start, BW), :] + den_b
    num_ref[pl.ds(start, BW), :] = num_ref[pl.ds(start, BW), :] + num_b



def _full(shape):
    return pl.BlockSpec(shape, lambda g: (0, 0))


def _proj(x, w, b):
    return pl.pallas_call(
        _proj_body,
        out_shape=jax.ShapeDtypeStruct((N_PAD, w.shape[1]), jnp.float32),
    )(x, w, b)


def _node(h, w, a_src, a_dst):
    heads = a_src.shape[1]
    d = w.shape[1]
    return pl.pallas_call(
        _node_body,
        out_shape=(
            jax.ShapeDtypeStruct((N_PAD, d), jnp.float32),
            jax.ShapeDtypeStruct((N_PAD, heads), jnp.float32),
            jax.ShapeDtypeStruct((N_PAD, heads), jnp.float32),
        ),
    )(h, w, a_src, a_dst)


def _seg_max(a_se, dst2, a_d, starts, heads):
    return pl.pallas_call(
        _max_body,
        grid=(G,),
        in_specs=[
            pl.BlockSpec((B, heads), lambda g: (g, 0)),
            pl.BlockSpec((B, 1), lambda g: (g, 0)),
            _full((N_PAD, heads)),
            pl.BlockSpec(memory_space=pltpu.SMEM),
        ],
        out_specs=_full((N_PAD, heads)),
        out_shape=jax.ShapeDtypeStruct((N_PAD, heads), jnp.float32),
    )(a_se, dst2, a_d, starts)


def _seg_acc(a_se, dst2, h_se, a_d, mx, r, starts, heads, d):
    return pl.pallas_call(
        _acc_body,
        grid=(G,),
        in_specs=[
            pl.BlockSpec((B, heads), lambda g: (g, 0)),
            pl.BlockSpec((B, 1), lambda g: (g, 0)),
            pl.BlockSpec((B, d), lambda g: (g, 0)),
            _full((N_PAD, heads)),
            _full((N_PAD, heads)),
            _full((heads, d)),
            pl.BlockSpec(memory_space=pltpu.SMEM),
        ],
        out_specs=(
            _full((N_PAD, heads)),
            _full((N_PAD, d)),
        ),
        out_shape=(
            jax.ShapeDtypeStruct((N_PAD, heads), jnp.float32),
            jax.ShapeDtypeStruct((N_PAD, d), jnp.float32),
        ),
    )(a_se, dst2, h_se, a_d, mx, r, starts)


def _final(num, den, r, bias):
    d = num.shape[1]
    return pl.pallas_call(
        _final_body,
        out_shape=jax.ShapeDtypeStruct((N_PAD, d), jnp.float32),
    )(num, den, r, bias)


def _gat(h, src_s, dst2, starts, edge_mask, W, att_src, att_dst, bias, heads, out_ch):
    d = heads * out_ch
    eye = jnp.eye(heads, dtype=jnp.float32)
    a_src = (att_src[:, :, None] * eye[:, None, :]).reshape(d, heads)
    a_dst = (att_dst[:, :, None] * eye[:, None, :]).reshape(d, heads)
    r = jnp.repeat(eye, out_ch, axis=1)
    h1, a_s, a_d = _node(h, W, a_src, a_dst)
    a_se = jnp.where(edge_mask, a_s[src_s], NEG)
    h_se = h1[src_s]
    mx = _seg_max(a_se, dst2, a_d, starts, heads)
    den, num = _seg_acc(a_se, dst2, h_se, a_d, mx, r, starts, heads, d)
    return _final(num, den, r, jnp.broadcast_to(bias, (N_PAD, d)))


@jax.jit
def kernel(x, edge_index, W0, b0, W1, att_src1, att_dst1, bias1,
           W2, att_src2, att_dst2, bias2, W3, att_src3, att_dst3, bias3):
    loop = jnp.arange(N, dtype=edge_index.dtype)
    src = jnp.concatenate([edge_index[0], loop])
    dst = jnp.concatenate([edge_index[1], loop])
    order = jnp.argsort(dst)
    src_s = jnp.concatenate([src[order],
                             jnp.zeros((E_PAD - E_TOT,), jnp.int32)])
    dst_s = jnp.concatenate([dst[order],
                             jnp.full((E_PAD - E_TOT,), N - 1, jnp.int32)])
    starts = jnp.minimum(dst_s.reshape(G, B)[:, 0] // 8, (N_PAD - BW) // 8)
    dst2 = dst_s[:, None]
    edge_mask = (jnp.arange(E_PAD) < E_TOT)[:, None]

    sigma = jnp.linalg.norm(W0, ord=2)
    xp = jnp.zeros((N_PAD, x.shape[1]), jnp.float32).at[:N].set(x)
    h = _proj(xp, W0 / sigma, jnp.broadcast_to(b0, (N_PAD, W0.shape[1])))
    h = _gat(h, src_s, dst2, starts, edge_mask,
             W1, att_src1, att_dst1, bias1, HEADS, HID)
    h = _gat(h, src_s, dst2, starts, edge_mask,
             W2, att_src2, att_dst2, bias2, HEADS, HID)
    h = _gat(h, src_s, dst2, starts, edge_mask,
             W3, att_src3, att_dst3, bias3, 1, OUT)
    return h[:N]

# --- scband reference (transcript-rebuilt; emitter-appended) ---
"""Pipeline reference for scband-minamo-topo-model-75892072120924 (READ-ONLY COPY).

The authoritative reference and input builder live on the scoring server;
editing this copy changes nothing except your own understanding.
"""

import jax, jax.numpy as jnp
import numpy as np

N = 10000
E = 320000
TILE = 32
EMB = 128
HID = 32
HEADS = 8
OUT = 128


def gat_layer(x, src, dst, W, att_src, att_dst, bias, heads, out_ch, n_nodes):
    # PyG-style GATConv (concat heads, leaky_relu(0.2) attention, softmax over incoming edges per dst)
    h = (x @ W).reshape(n_nodes, heads, out_ch)
    a_s = jnp.sum(h * att_src[None, :, :], axis=-1)  # [N, heads]
    a_d = jnp.sum(h * att_dst[None, :, :], axis=-1)  # [N, heads]
    e = jax.nn.leaky_relu(a_s[src] + a_d[dst], 0.2)  # [E, heads]
    e_max = jax.ops.segment_max(e, dst, num_segments=n_nodes)
    ex = jnp.exp(e - e_max[dst])
    denom = jax.ops.segment_sum(ex, dst, num_segments=n_nodes)
    alpha = ex / (denom[dst] + 1e-16)
    out = jax.ops.segment_sum(h[src] * alpha[:, :, None], dst, num_segments=n_nodes)
    return out.reshape(n_nodes, heads * out_ch) + bias


def setup_inputs(seed: int = 0) -> dict:
    key = jax.random.key(seed)
    ks = jax.random.split(key, 20)
    x = jax.random.normal(ks[0], (N, TILE), dtype=jnp.float32)
    edge_index = jax.random.randint(ks[1], (2, E), 0, N, dtype=jnp.int32)
    d1 = HEADS * HID  # 256
    inp = {
        "x": x,
        "edge_index": edge_index,
        # input_proj (spectral-normalized Linear) params, stored as [in, out]
        "W0": jax.random.normal(ks[2], (TILE, EMB), dtype=jnp.float32) * (1.0 / np.sqrt(TILE)),
        "b0": jnp.zeros((EMB,), dtype=jnp.float32),
        # conv1: in=EMB, heads=8, out=HID
        "W1": jax.random.normal(ks[3], (EMB, HEADS * HID), dtype=jnp.float32) * (1.0 / np.sqrt(EMB)),
        "att_src1": jax.random.normal(ks[4], (HEADS, HID), dtype=jnp.float32) * 0.1,
        "att_dst1": jax.random.normal(ks[5], (HEADS, HID), dtype=jnp.float32) * 0.1,
        "bias1": jnp.zeros((HEADS * HID,), dtype=jnp.float32),
        # conv2: in=256, heads=8, out=HID
        "W2": jax.random.normal(ks[6], (d1, HEADS * HID), dtype=jnp.float32) * (1.0 / np.sqrt(d1)),
        "att_src2": jax.random.normal(ks[7], (HEADS, HID), dtype=jnp.float32) * 0.1,
        "att_dst2": jax.random.normal(ks[8], (HEADS, HID), dtype=jnp.float32) * 0.1,
        "bias2": jnp.zeros((HEADS * HID,), dtype=jnp.float32),
        # conv3: in=256, heads=1, out=OUT
        "W3": jax.random.normal(ks[9], (d1, OUT), dtype=jnp.float32) * (1.0 / np.sqrt(d1)),
        "att_src3": jax.random.normal(ks[10], (1, OUT), dtype=jnp.float32) * 0.1,
        "att_dst3": jax.random.normal(ks[11], (1, OUT), dtype=jnp.float32) * 0.1,
        "bias3": jnp.zeros((OUT,), dtype=jnp.float32),
    }
    return inp


def reference(x, edge_index, W0, b0, W1, att_src1, att_dst1, bias1, W2, att_src2, att_dst2, bias2, W3, att_src3, att_dst3, bias3):
    # add self-loops (PyG GATConv default add_self_loops=True)
    loop = jnp.arange(N, dtype=edge_index.dtype)
    src = jnp.concatenate([edge_index[0], loop])
    dst = jnp.concatenate([edge_index[1], loop])
    # spectral norm on input linear: divide by largest singular value
    sigma = jnp.linalg.norm(W0, ord=2)
    h = jax.nn.leaky_relu(x @ (W0 / sigma) + b0, 0.2)
    h = gat_layer(h, src, dst, W1, att_src1, att_dst1, bias1, HEADS, HID, N)
    h = jax.nn.leaky_relu(h, 0.2)
    h = gat_layer(h, src, dst, W2, att_src2, att_dst2, bias2, HEADS, HID, N)
    h = jax.nn.leaky_relu(h, 0.2)
    h = gat_layer(h, src, dst, W3, att_src3, att_dst3, bias3, 1, OUT, N)
    h = jax.nn.leaky_relu(h, 0.2)
    return h

if __name__ == "__main__":
    import jax
    _d = setup_inputs()
    print(jax.jit(kernel)(*tuple(_d.values())))

</pallas_src>

<mosaic_0001>
module attributes {stable_mosaic.version = 14 : i64} {
  func.func @_proj_body(%arg0: memref<10240x32xf32, #tpu.memory_space<vmem>>, %arg1: memref<32x128xf32, #tpu.memory_space<vmem>>, %arg2: memref<10240x128xf32, #tpu.memory_space<vmem>>, %arg3: memref<10240x128xf32, #tpu.memory_space<vmem>>) attributes {dimension_semantics = [], scalar_prefetch = 0 : i64, scratch_operands = 0 : i64, tpu.core_type = #tpu.core_type<tc>} {
    %get3A = arith.constant 0 : index
    %get3A_0 = arith.constant 0 : index
    %get3A_1 = vector.load %arg0[%get3A, %get3A_0] : memref<10240x32xf32, #tpu.memory_space<vmem>>, vector<10240x32xf32>
    %get3A_2 = arith.constant 0 : index
    %get3A_3 = arith.constant 0 : index
    %get3A_4 = vector.load %arg1[%get3A_2, %get3A_3] : memref<32x128xf32, #tpu.memory_space<vmem>>, vector<32x128xf32>
    %dot_general3A = arith.constant dense<0.000000e+00> : vector<10240x128xf32>
    %dot_general3A_5 = tpu.matmul %get3A_1, %get3A_4, %dot_general3A {dimension_numbers = #tpu.dot_dimension_numbers<[1], [0], [0], [1], [0, 0, 1, 1], [], []>, transpose_lhs_hint = false} : vector<10240x32xf32>, vector<32x128xf32>, vector<10240x128xf32> -> vector<10240x128xf32>
    %get3A_6 = arith.constant 0 : index
    %get3A_7 = arith.constant 0 : index
    %get3A_8 = vector.load %arg2[%get3A_6, %get3A_7] : memref<10240x128xf32, #tpu.memory_space<vmem>>, vector<10240x128xf32>
    %add3A = arith.addf %dot_general3A_5, %get3A_8 : vector<10240x128xf32>
    %ge3A = arith.constant 0.000000e+00 : f32
    %ge3A_9 = vector.broadcast %ge3A : f32 to vector<10240x128xf32>
    %ge3A_10 = arith.cmpf oge, %add3A, %ge3A_9 : vector<10240x128xf32>
    %mul3A = arith.constant 2.000000e-01 : f32
    %mul3A_11 = vector.broadcast %mul3A : f32 to vector<10240x128xf32>
    %mul3A_12 = arith.mulf %mul3A_11, %add3A : vector<10240x128xf32>
    %select_n3A = arith.select %ge3A_10, %add3A, %mul3A_12 : vector<10240x128xi1>, vector<10240x128xf32>
    %swap3A = arith.constant 0 : index
    %swap3A_13 = arith.constant 0 : index
    %swap3A_14 = vector.load %arg3[%swap3A, %swap3A_13] : memref<10240x128xf32, #tpu.memory_space<vmem>>, vector<10240x128xf32>
    tpu.vector_store %arg3[%swap3A, %swap3A_13], %select_n3A {strides = array<i32>} : memref<10240x128xf32, #tpu.memory_space<vmem>>, vector<10240x128xf32>,
    return
  }
}

module attributes {stable_mosaic.version = 14 : i64} {
  func.func @_node_body(%arg0: memref<10240x128xf32, #tpu.memory_space<vmem>>, %arg1: memref<128x256xf32, #tpu.memory_space<vmem>>, %arg2: memref<256x8xf32, #tpu.memory_space<vmem>>, %arg3: memref<256x8xf32, #tpu.memory_space<vmem>>, %arg4: memref<10240x256xf32, #tpu.memory_space<vmem>>, %arg5: memref<10240x8xf32, #tpu.memory_space<vmem>>, %arg6: memref<10240x8xf32, #tpu.memory_space<vmem>>) attributes {dimension_semantics = [], scalar_prefetch = 0 : i64, scratch_operands = 0 : i64, tpu.core_type = #tpu.core_type<tc>} {
    %get3A = arith.constant 0 : index
    %get3A_0 = arith.constant 0 : index
    %get3A_1 = vector.load %arg0[%get3A, %get3A_0] : memref<10240x128xf32, #tpu.memory_space<vmem>>, vector<10240x128xf32>
    %get3A_2 = arith.constant 0 : index
    %get3A_3 = arith.constant 0 : index
    %get3A_4 = vector.load %arg1[%get3A_2, %get3A_3] : memref<128x256xf32, #tpu.memory_space<vmem>>, vector<128x256xf32>
    %dot_general3A = arith.constant dense<0.000000e+00> : vector<10240x256xf32>
    %dot_general3A_5 = tpu.matmul %get3A_1, %get3A_4, %dot_general3A {dimension_numbers = #tpu.dot_dimension_numbers<[1], [0], [0], [1], [0, 0, 1, 1], [], []>, transpose_lhs_hint = false} : vector<10240x128xf32>, vector<128x256xf32>, vector<10240x256xf32> -> vector<10240x256xf32>
    %swap3A = arith.constant 0 : index
    %swap3A_6 = arith.constant 0 : index
    %swap3A_7 = vector.load %arg4[%swap3A, %swap3A_6] : memref<10240x256xf32, #tpu.memory_space<vmem>>, vector<10240x256xf32>
    tpu.vector_store %arg4[%swap3A, %swap3A_6], %dot_general3A_5 {strides = array<i32>} : memref<10240x256xf32, #tpu.memory_space<vmem>>, vector<10240x256xf32>,
    %get3A_8 = arith.constant 0 : index
    %get3A_9 = arith.constant 0 : index
    %get3A_10 = vector.load %arg2[%get3A_8, %get3A_9] : memref<256x8xf32, #tpu.memory_space<vmem>>, vector<256x8xf32>
    %dot_general3A_11 = arith.constant dense<0.000000e+00> : vector<10240x8xf32>
    %dot_general3A_12 = tpu.matmul %dot_general3A_5, %get3A_10, %dot_general3A_11 {dimension_numbers = #tpu.dot_dimension_numbers<[1], [0], [0], [1], [0, 0, 1, 1], [], []>, transpose_lhs_hint = false} : vector<10240x256xf32>, vector<256x8xf32>, vector<10240x8xf32> -> vector<10240x8xf32>
    %swap3A_13 = arith.constant 0 : index
    %swap3A_14 = arith.constant 0 : index
    %swap3A_15 = vector.load %arg5[%swap3A_13, %swap3A_14] : memref<10240x8xf32, #tpu.memory_space<vmem>>, vector<10240x8xf32>
    tpu.vector_store %arg5[%swap3A_13, %swap3A_14], %dot_general3A_12 {strides = array<i32>} : memref<10240x8xf32, #tpu.memory_space<vmem>>, vector<10240x8xf32>,
    %get3A_16 = arith.constant 0 : index
    %get3A_17 = arith.constant 0 : index
    %get3A_18 = vector.load %arg3[%get3A_16, %get3A_17] : memref<256x8xf32, #tpu.memory_space<vmem>>, vector<256x8xf32>
    %dot_general3A_19 = arith.constant dense<0.000000e+00> : vector<10240x8xf32>
    %dot_general3A_20 = tpu.matmul %dot_general3A_5, %get3A_18, %dot_general3A_19 {dimension_numbers = #tpu.dot_dimension_numbers<[1], [0], [0], [1], [0, 0, 1, 1], [], []>, transpose_lhs_hint = false} : vector<10240x256xf32>, vector<256x8xf32>, vector<10240x8xf32> -> vector<10240x8xf32>
    %swap3A_21 = arith.constant 0 : index
    %swap3A_22 = arith.constant 0 : index
    %swap3A_23 = vector.load %arg6[%swap3A_21, %swap3A_22] : memref<10240x8xf32, #tpu.memory_space<vmem>>, vector<10240x8xf32>
    tpu.vector_store %arg6[%swap3A_21, %swap3A_22], %dot_general3A_20 {strides = array<i32>} : memref<10240x8xf32, #tpu.memory_space<vmem>>, vector<10240x8xf32>,
    return
  }
}

module attributes {stable_mosaic.version = 14 : i64} {
  func.func @_max_body(%arg0: i32, %arg1: memref<512x8xf32, #tpu.memory_space<vmem>>, %arg2: memref<512x1xi32, #tpu.memory_space<vmem>>, %arg3: memref<10240x8xf32, #tpu.memory_space<vmem>>, %arg4: memref<645xi32, #tpu.memory_space<smem>>, %arg5: memref<10240x8xf32, #tpu.memory_space<vmem>>) attributes {dimension_semantics = [#tpu.dimension_semantics<arbitrary>], iteration_bounds = array<i64: 645>, scalar_prefetch = 0 : i64, scratch_operands = 0 : i64, tpu.core_type = #tpu.core_type<tc>, window_params = [{transform_indices = @transform_0, window_bounds = array<i64: 512, 8>}, {transform_indices = @transform_1, window_bounds = array<i64: 512, 1>}, {pipeline_mode = #tpu.pipeline_mode<synchronous>, transform_indices = @transform_2, window_bounds = array<i64: 10240, 8>}, {transform_indices = @transform_3, window_bounds = array<i64: 645>}, {pipeline_mode = #tpu.pipeline_mode<synchronous>, transform_indices = @transform_4, window_bounds = array<i64: 10240, 8>}]} {
    %eq3A = arith.constant 0 : i32
    %eq3A_0 = arith.cmpi eq, %arg0, %eq3A : i32
    %convert_element_type3A = arith.extui %eq3A_0 : i1 to i32
    %cond3A = arith.constant 0 : i32
    %cond3A_1 = arith.cmpi ne, %convert_element_type3A, %cond3A : i32
    scf.if %cond3A_1 {
      %broadcast_in_dim3A_97 = arith.constant -1.000000e+30 : f32
      %broadcast_in_dim3A_98 = vector.broadcast %broadcast_in_dim3A_97 : f32 to vector<10240x8xf32>
      %swap3A_99 = arith.constant 0 : index
      %swap3A_100 = arith.constant 0 : index
      %swap3A_101 = vector.load %arg5[%swap3A_99, %swap3A_100] : memref<10240x8xf32, #tpu.memory_space<vmem>>, vector<10240x8xf32>
      tpu.vector_store %arg5[%swap3A_99, %swap3A_100], %broadcast_in_dim3A_98 {strides = array<i32>} : memref<10240x8xf32, #tpu.memory_space<vmem>>, vector<10240x8xf32>,
    } else {
    }
    %get3A = arith.index_cast %arg0 : i32 to index
    %get3A_2 = memref.load %arg4[%get3A] : memref<645xi32, #tpu.memory_space<smem>>
    %mul3A = arith.constant 8 : i32
    %mul3A_3 = arith.muli %get3A_2, %mul3A : i32
    %get3A_4 = arith.constant 0 : index
    %get3A_5 = arith.constant 0 : index
    %get3A_6 = vector.load %arg2[%get3A_4, %get3A_5] : memref<512x1xi32, #tpu.memory_space<vmem>>, vector<512x1xi32>
    %sub3A = vector.broadcast %mul3A_3 : i32 to vector<512x1xi32>
    %sub3A_7 = arith.subi %get3A_6, %sub3A : vector<512x1xi32>
    %iota3A = tpu.iota {dimensions = array<i32: 1>} : vector<512x520xi32>
    %eq3A_8 = vector.broadcast %sub3A_7 : vector<512x1xi32> to vector<512x520xi32>
    %eq3A_9 = arith.cmpi eq, %eq3A_8, %iota3A : vector<512x520xi32>
    %convert_element_type3A_10 = arith.extui %eq3A_9 : vector<512x520xi1> to vector<512x520xi32>
    %convert_element_type3A_11 = arith.sitofp %convert_element_type3A_10 : vector<512x520xi32> to vector<512x520xf32>
    %get3A_12 = arith.index_cast %mul3A_3 : i32 to index
    %get3A_13 = arith.constant 0 : index
    %get3A_14 = vector.load %arg3[%get3A_12, %get3A_13] : memref<10240x8xf32, #tpu.memory_space<vmem>>, vector<520x8xf32>
    %dot_general3A = arith.constant dense<0.000000e+00> : vector<512x8xf32>
    %dot_general3A_15 = tpu.matmul %convert_element_type3A_11, %get3A_14, %dot_general3A {dimension_numbers = #tpu.dot_dimension_numbers<[1], [0], [0], [1], [0, 0, 1, 1], [], []>, transpose_lhs_hint = false} : vector<512x520xf32>, vector<520x8xf32>, vector<512x8xf32> -> vector<512x8xf32>
    %get3A_16 = arith.constant 0 : index
    %get3A_17 = arith.constant 0 : index
    %get3A_18 = vector.load %arg1[%get3A_16, %get3A_17] : memref<512x8xf32, #tpu.memory_space<vmem>>, vector<512x8xf32>
    %add3A = arith.addf %get3A_18, %dot_general3A_15 : vector<512x8xf32>
    %ge3A = arith.constant 0.000000e+00 : f32
    %ge3A_19 = vector.broadcast %ge3A : f32 to vector<512x8xf32>
    %ge3A_20 = arith.cmpf oge, %add3A, %ge3A_19 : vector<512x8xf32>
    %mul3A_21 = arith.constant 2.000000e-01 : f32
    %mul3A_22 = vector.broadcast %mul3A_21 : f32 to vector<512x8xf32>
    %mul3A_23 = arith.mulf %mul3A_22, %add3A : vector<512x8xf32>
    %select_n3A = arith.select %ge3A_20, %add3A, %mul3A_23 : vector<512x8xi1>, vector<512x8xf32>
    %slice3A = vector.extract_strided_slice %select_n3A {offsets = [0, 0], sizes = [512, 1], strides = [1, 1]} : vector<512x8xf32> to vector<512x1xf32>
    %jit3A = arith.constant -1.000000e+30 : f32
    %broadcast_in_dim3A = vector.shape_cast %slice3A : vector<512x1xf32> to vector<512x1xf32>
    %broadcast_in_dim3A_24 = vector.broadcast %broadcast_in_dim3A : vector<512x1xf32> to vector<512x520xf32>
    %broadcast_in_dim3A_25 = vector.broadcast %jit3A : f32 to vector<512x520xf32>
    %select_n3A_26 = arith.select %eq3A_9, %broadcast_in_dim3A_24, %broadcast_in_dim3A_25 : vector<512x520xi1>, vector<512x520xf32>
    %reduce_max3A = arith.constant dense<0xFF800000> : vector<520xf32>
    %reduce_max3A_27 = vector.multi_reduction <maximumf>, %select_n3A_26, %reduce_max3A [0] : vector<512x520xf32> to vector<520xf32>
    %broadcast_in_dim3A_28 = vector.shape_cast %reduce_max3A_27 : vector<520xf32> to vector<1x520xf32>
    %slice3A_29 = vector.extract_strided_slice %select_n3A {offsets = [0, 1], sizes = [512, 1], strides = [1, 1]} : vector<512x8xf32> to vector<512x1xf32>
    %jit3A_30 = arith.constant -1.000000e+30 : f32
    %broadcast_in_dim3A_31 = vector.shape_cast %slice3A_29 : vector<512x1xf32> to vector<512x1xf32>
    %broadcast_in_dim3A_32 = vector.broadcast %broadcast_in_dim3A_31 : vector<512x1xf32> to vector<512x520xf32>
    %broadcast_in_dim3A_33 = vector.broadcast %jit3A_30 : f32 to vector<512x520xf32>
    %select_n3A_34 = arith.select %eq3A_9, %broadcast_in_dim3A_32, %broadcast_in_dim3A_33 : vector<512x520xi1>, vector<512x520xf32>
    %reduce_max3A_35 = arith.constant dense<0xFF800000> : vector<520xf32>
    %reduce_max3A_36 = vector.multi_reduction <maximumf>, %select_n3A_34, %reduce_max3A_35 [0] : vector<512x520xf32> to vector<520xf32>
    %broadcast_in_dim3A_37 = vector.shape_cast %reduce_max3A_36 : vector<520xf32> to vector<1x520xf32>
    %slice3A_38 = vector.extract_strided_slice %select_n3A {offsets = [0, 2], sizes = [512, 1], strides = [1, 1]} : vector<512x8xf32> to vector<512x1xf32>
    %jit3A_39 = arith.constant -1.000000e+30 : f32
    %broadcast_in_dim3A_40 = vector.shape_cast %slice3A_38 : vector<512x1xf32> to vector<512x1xf32>
    %broadcast_in_dim3A_41 = vector.broadcast %broadcast_in_dim3A_40 : vector<512x1xf32> to vector<512x520xf32>
    %broadcast_in_dim3A_42 = vector.broadcast %jit3A_39 : f32 to vector<512x520xf32>
    %select_n3A_43 = arith.select %eq3A_9, %broadcast_in_dim3A_41, %broadcast_in_dim3A_42 : vector<512x520xi1>, vector<512x520xf32>
    %reduce_max3A_44 = arith.constant dense<0xFF800000> : vector<520xf32>
    %reduce_max3A_45 = vector.multi_reduction <maximumf>, %select_n3A_43, %reduce_max3A_44 [0] : vector<512x520xf32> to vector<520xf32>
    %broadcast_in_dim3A_46 = vector.shape_cast %reduce_max3A_45 : vector<520xf32> to vector<1x520xf32>
    %slice3A_47 = vector.extract_strided_slice %select_n3A {offsets = [0, 3], sizes = [512, 1], strides = [1, 1]} : vector<512x8xf32> to vector<512x1xf32>
    %jit3A_48 = arith.constant -1.000000e+30 : f32
    %broadcast_in_dim3A_49 = vector.shape_cast %slice3A_47 : vector<512x1xf32> to vector<512x1xf32>
    %broadcast_in_dim3A_50 = vector.broadcast %broadcast_in_dim3A_49 : vector<512x1xf32> to vector<512x520xf32>
    %broadcast_in_dim3A_51 = vector.broadcast %jit3A_48 : f32 to vector<512x520xf32>
    %select_n3A_52 = arith.select %eq3A_9, %broadcast_in_dim3A_50, %broadcast_in_dim3A_51 : vector<512x520xi1>, vector<512x520xf32>
    %reduce_max3A_53 = arith.constant dense<0xFF800000> : vector<520xf32>
    %reduce_max3A_54 = vector.multi_reduction <maximumf>, %select_n3A_52, %reduce_max3A_53 [0] : vector<512x520xf32> to vector<520xf32>
    %broadcast_in_dim3A_55 = vector.shape_cast %reduce_max3A_54 : vector<520xf32> to vector<1x520xf32>
    %slice3A_56 = vector.extract_strided_slice %select_n3A {offsets = [0, 4], sizes = [512, 1], strides = [1, 1]} : vector<512x8xf32> to vector<512x1xf32>
    %jit3A_57 = arith.constant -1.000000e+30 : f32
    %broadcast_in_dim3A_58 = vector.shape_cast %slice3A_56 : vector<512x1xf32> to vector<512x1xf32>
    %broadcast_in_dim3A_59 = vector.broadcast %broadcast_in_dim3A_58 : vector<512x1xf32> to vector<512x520xf32>
    %broadcast_in_dim3A_60 = vector.broadcast %jit3A_57 : f32 to vector<512x520xf32>
    %select_n3A_61 = arith.select %eq3A_9, %broadcast_in_dim3A_59, %broadcast_in_dim3A_60 : vector<512x520xi1>, vector<512x520xf32>
    %reduce_max3A_62 = arith.constant dense<0xFF800000> : vector<520xf32>
    %reduce_max3A_63 = vector.multi_reduction <maximumf>, %select_n3A_61, %reduce_max3A_62 [0] : vector<512x520xf32> to vector<520xf32>
    %broadcast_in_dim3A_64 = vector.shape_cast %reduce_max3A_63 : vector<520xf32> to vector<1x520xf32>
    %slice3A_65 = vector.extract_strided_slice %select_n3A {offsets = [0, 5], sizes = [512, 1], strides = [1, 1]} : vector<512x8xf32> to vector<512x1xf32>
    %jit3A_66 = arith.constant -1.000000e+30 : f32
    %broadcast_in_dim3A_67 = vector.shape_cast %slice3A_65 : vector<512x1xf32> to vector<512x1xf32>
    %broadcast_in_dim3A_68 = vector.broadcast %broadcast_in_dim3A_67 : vector<512x1xf32> to vector<512x520xf32>
    %broadcast_in_dim3A_69 = vector.broadcast %jit3A_66 : f32 to vector<512x520xf32>
    %select_n3A_70 = arith.select %eq3A_9, %broadcast_in_dim3A_68, %broadcast_in_dim3A_69 : vector<512x520xi1>, vector<512x520xf32>
    %reduce_max3A_71 = arith.constant dense<0xFF800000> : vector<520xf32>
    %reduce_max3A_72 = vector.multi_reduction <maximumf>, %select_n3A_70, %reduce_max3A_71 [0] : vector<512x520xf32> to vector<520xf32>
    %broadcast_in_dim3A_73 = vector.shape_cast %reduce_max3A_72 : vector<520xf32> to vector<1x520xf32>
    %slice3A_74 = vector.extract_strided_slice %select_n3A {offsets = [0, 6], sizes = [512, 1], strides = [1, 1]} : vector<512x8xf32> to vector<512x1xf32>
    %jit3A_75 = arith.constant -1.000000e+30 : f32
    %broadcast_in_dim3A_76 = vector.shape_cast %slice3A_74 : vector<512x1xf32> to vector<512x1xf32>
    %broadcast_in_dim3A_77 = vector.broadcast %broadcast_in_dim3A_76 : vector<512x1xf32> to vector<512x520xf32>
    %broadcast_in_dim3A_78 = vector.broadcast %jit3A_75 : f32 to vector<512x520xf32>
    %select_n3A_79 = arith.select %eq3A_9, %broadcast_in_dim3A_77, %broadcast_in_dim3A_78 : vector<512x520xi1>, vector<512x520xf32>
    %reduce_max3A_80 = arith.constant dense<0xFF800000> : vector<520xf32>
    %reduce_max3A_81 = vector.multi_reduction <maximumf>, %select_n3A_79, %reduce_max3A_80 [0] : vector<512x520xf32> to vector<520xf32>
    %broadcast_in_dim3A_82 = vector.shape_cast %reduce_max3A_81 : vector<520xf32> to vector<1x520xf32>
    %slice3A_83 = vector.extract_strided_slice %select_n3A {offsets = [0, 7], sizes = [512, 1], strides = [1, 1]} : vector<512x8xf32> to vector<512x1xf32>
    %jit3A_84 = arith.constant -1.000000e+30 : f32
    %broadcast_in_dim3A_85 = vector.shape_cast %slice3A_83 : vector<512x1xf32> to vector<512x1xf32>
    %broadcast_in_dim3A_86 = vector.broadcast %broadcast_in_dim3A_85 : vector<512x1xf32> to vector<512x520xf32>
    %broadcast_in_dim3A_87 = vector.broadcast %jit3A_84 : f32 to vector<512x520xf32>
    %select_n3A_88 = arith.select %eq3A_9, %broadcast_in_dim3A_86, %broadcast_in_dim3A_87 : vector<512x520xi1>, vector<512x520xf32>
    %reduce_max3A_89 = arith.constant dense<0xFF800000> : vector<520xf32>
    %reduce_max3A_90 = vector.multi_reduction <maximumf>, %select_n3A_88, %reduce_max3A_89 [0] : vector<512x520xf32> to vector<520xf32>
    %broadcast_in_dim3A_91 = vector.shape_cast %reduce_max3A_90 : vector<520xf32> to vector<1x520xf32>
    %concatenate3A = tpu.concatenate %broadcast_in_dim3A_28, %broadcast_in_dim3A_37, %broadcast_in_dim3A_46, %broadcast_in_dim3A_55, %broadcast_in_dim3A_64, %broadcast_in_dim3A_73, %broadcast_in_dim3A_82, %broadcast_in_dim3A_91 in 0 : vector<1x520xf32>, vector<1x520xf32>, vector<1x520xf32>, vector<1x520xf32>, vector<1x520xf32>, vector<1x520xf32>, vector<1x520xf32>, vector<1x520xf32> -> vector<8x520xf32>
    %transpose3A = tpu.transpose %concatenate3A, [1, 0] : vector<8x520xf32> -> vector<520x8xf32>
    %get3A_92 = arith.index_cast %mul3A_3 : i32 to index
    %get3A_93 = arith.constant 0 : index
    %get3A_94 = vector.load %arg5[%get3A_92, %get3A_93] : memref<10240x8xf32, #tpu.memory_space<vmem>>, vector<520x8xf32>
    %max3A = arith.maximumf %get3A_94, %transpose3A : vector<520x8xf32>
    %swap3A = arith.index_cast %mul3A_3 : i32 to index
    %swap3A_95 = arith.constant 0 : index
    %swap3A_96 = vector.load %arg5[%swap3A, %swap3A_95] : memref<10240x8xf32, #tpu.memory_space<vmem>>, vector<520x8xf32>
    tpu.vector_store %arg5[%swap3A, %swap3A_95], %max3A {strides = array<i32>} : memref<10240x8xf32, #tpu.memory_space<vmem>>, vector<520x8xf32>,
    return
  }
  func.func @transform_0(%arg0: i32) -> (i32, i32) {
    %c0_i32 = arith.constant 0 : i32
    %c0_i32_0 = arith.constant 0 : i32
    return %arg0, %c0_i32 : i32, i32
  }
  func.func @transform_1(%arg0: i32) -> (i32, i32) {
    %c0_i32 = arith.constant 0 : i32
    %c0_i32_0 = arith.constant 0 : i32
    return %arg0, %c0_i32 : i32, i32
  }
  func.func @transform_2(%arg0: i32) -> (i32, i32) {
    %c0_i32 = arith.constant 0 : i32
    %c0_i32_0 = arith.constant 0 : i32
    %c0_i32_1 = arith.constant 0 : i32
    return %c0_i32, %c0_i32_0 : i32, i32
  }
  func.func @transform_3(%arg0: i32) -> i32 {
    %c0_i32 = arith.constant 0 : i32
    %c0_i32_0 = arith.constant 0 : i32
    return %c0_i32 : i32
  }
  func.func @transform_4(%arg0: i32) -> (i32, i32) {
    %c0_i32 = arith.constant 0 : i32
    %c0_i32_0 = arith.constant 0 : i32
    %c0_i32_1 = arith.constant 0 : i32
    return %c0_i32, %c0_i32_0 : i32, i32
  }
}

module attributes {stable_mosaic.version = 14 : i64} {
  func.func @_acc_body(%arg0: i32, %arg1: memref<512x8xf32, #tpu.memory_space<vmem>>, %arg2: memref<512x1xi32, #tpu.memory_space<vmem>>, %arg3: memref<512x256xf32, #tpu.memory_space<vmem>>, %arg4: memref<10240x8xf32, #tpu.memory_space<vmem>>, %arg5: memref<10240x8xf32, #tpu.memory_space<vmem>>, %arg6: memref<8x256xf32, #tpu.memory_space<vmem>>, %arg7: memref<645xi32, #tpu.memory_space<smem>>, %arg8: memref<10240x8xf32, #tpu.memory_space<vmem>>, %arg9: memref<10240x256xf32, #tpu.memory_space<vmem>>) attributes {dimension_semantics = [#tpu.dimension_semantics<arbitrary>], iteration_bounds = array<i64: 645>, scalar_prefetch = 0 : i64, scratch_operands = 0 : i64, tpu.core_type = #tpu.core_type<tc>, window_params = [{transform_indices = @transform_0, window_bounds = array<i64: 512, 8>}, {transform_indices = @transform_1, window_bounds = array<i64: 512, 1>}, {transform_indices = @transform_2, window_bounds = array<i64: 512, 256>}, {pipeline_mode = #tpu.pipeline_mode<synchronous>, transform_indices = @transform_3, window_bounds = array<i64: 10240, 8>}, {pipeline_mode = #tpu.pipeline_mode<synchronous>, transform_indices = @transform_4, window_bounds = array<i64: 10240, 8>}, {pipeline_mode = #tpu.pipeline_mode<synchronous>, transform_indices = @transform_5, window_bounds = array<i64: 8, 256>}, {transform_indices = @transform_6, window_bounds = array<i64: 645>}, {pipeline_mode = #tpu.pipeline_mode<synchronous>, transform_indices = @transform_7, window_bounds = array<i64: 10240, 8>}, {pipeline_mode = #tpu.pipeline_mode<synchronous>, transform_indices = @transform_8, window_bounds = array<i64: 10240, 256>}]} {
    %eq3A = arith.constant 0 : i32
    %eq3A_0 = arith.cmpi eq, %arg0, %eq3A : i32
    %convert_element_type3A = arith.extui %eq3A_0 : i1 to i32
    %cond3A = arith.constant 0 : i32
    %cond3A_1 = arith.cmpi ne, %convert_element_type3A, %cond3A : i32
    scf.if %cond3A_1 {
      %broadcast_in_dim3A = arith.constant 0.000000e+00 : f32
      %broadcast_in_dim3A_57 = vector.broadcast %broadcast_in_dim3A : f32 to vector<10240x8xf32>
      %swap3A_58 = arith.constant 0 : index
      %swap3A_59 = arith.constant 0 : index
      %swap3A_60 = vector.load %arg8[%swap3A_58, %swap3A_59] : memref<10240x8xf32, #tpu.memory_space<vmem>>, vector<10240x8xf32>
      tpu.vector_store %arg8[%swap3A_58, %swap3A_59], %broadcast_in_dim3A_57 {strides = array<i32>} : memref<10240x8xf32, #tpu.memory_space<vmem>>, vector<10240x8xf32>,
      %broadcast_in_dim3A_61 = arith.constant 0.000000e+00 : f32
      %broadcast_in_dim3A_62 = vector.broadcast %broadcast_in_dim3A_61 : f32 to vector<10240x256xf32>
      %swap3A_63 = arith.constant 0 : index
      %swap3A_64 = arith.constant 0 : index
      %swap3A_65 = vector.load %arg9[%swap3A_63, %swap3A_64] : memref<10240x256xf32, #tpu.memory_space<vmem>>, vector<10240x256xf32>
      tpu.vector_store %arg9[%swap3A_63, %swap3A_64], %broadcast_in_dim3A_62 {strides = array<i32>} : memref<10240x256xf32, #tpu.memory_space<vmem>>, vector<10240x256xf32>,
    } else {
    }
    %get3A = arith.index_cast %arg0 : i32 to index
    %get3A_2 = memref.load %arg7[%get3A] : memref<645xi32, #tpu.memory_space<smem>>
    %mul3A = arith.constant 8 : i32
    %mul3A_3 = arith.muli %get3A_2, %mul3A : i32
    %get3A_4 = arith.constant 0 : index
    %get3A_5 = arith.constant 0 : index
    %get3A_6 = vector.load %arg2[%get3A_4, %get3A_5] : memref<512x1xi32, #tpu.memory_space<vmem>>, vector<512x1xi32>
    %sub3A = vector.broadcast %mul3A_3 : i32 to vector<512x1xi32>
    %sub3A_7 = arith.subi %get3A_6, %sub3A : vector<512x1xi32>
    %iota3A = tpu.iota {dimensions = array<i32: 1>} : vector<512x520xi32>
    %eq3A_8 = vector.broadcast %sub3A_7 : vector<512x1xi32> to vector<512x520xi32>
    %eq3A_9 = arith.cmpi eq, %eq3A_8, %iota3A : vector<512x520xi32>
    %convert_element_type3A_10 = arith.extui %eq3A_9 : vector<512x520xi1> to vector<512x520xi32>
    %convert_element_type3A_11 = arith.sitofp %convert_element_type3A_10 : vector<512x520xi32> to vector<512x520xf32>
    %get3A_12 = arith.index_cast %mul3A_3 : i32 to index
    %get3A_13 = arith.constant 0 : index
    %get3A_14 = vector.load %arg4[%get3A_12, %get3A_13] : memref<10240x8xf32, #tpu.memory_space<vmem>>, vector<520x8xf32>
    %dot_general3A = arith.constant dense<0.000000e+00> : vector<512x8xf32>
    %dot_general3A_15 = tpu.matmul %convert_element_type3A_11, %get3A_14, %dot_general3A {dimension_numbers = #tpu.dot_dimension_numbers<[1], [0], [0], [1], [0, 0, 1, 1], [], []>, transpose_lhs_hint = false} : vector<512x520xf32>, vector<520x8xf32>, vector<512x8xf32> -> vector<512x8xf32>
    %get3A_16 = arith.constant 0 : index
    %get3A_17 = arith.constant 0 : index
    %get3A_18 = vector.load %arg1[%get3A_16, %get3A_17] : memref<512x8xf32, #tpu.memory_space<vmem>>, vector<512x8xf32>
    %add3A = arith.addf %get3A_18, %dot_general3A_15 : vector<512x8xf32>
    %ge3A = arith.constant 0.000000e+00 : f32
    %ge3A_19 = vector.broadcast %ge3A : f32 to vector<512x8xf32>
    %ge3A_20 = arith.cmpf oge, %add3A, %ge3A_19 : vector<512x8xf32>
    %mul3A_21 = arith.constant 2.000000e-01 : f32
    %mul3A_22 = vector.broadcast %mul3A_21 : f32 to vector<512x8xf32>
    %mul3A_23 = arith.mulf %mul3A_22, %add3A : vector<512x8xf32>
    %select_n3A = arith.select %ge3A_20, %add3A, %mul3A_23 : vector<512x8xi1>, vector<512x8xf32>
    %get3A_24 = arith.index_cast %mul3A_3 : i32 to index
    %get3A_25 = arith.constant 0 : index
    %get3A_26 = vector.load %arg5[%get3A_24, %get3A_25] : memref<10240x8xf32, #tpu.memory_space<vmem>>, vector<520x8xf32>
    %dot_general3A_27 = arith.constant dense<0.000000e+00> : vector<512x8xf32>
    %dot_general3A_28 = tpu.matmul %convert_element_type3A_11, %get3A_26, %dot_general3A_27 {dimension_numbers = #tpu.dot_dimension_numbers<[1], [0], [0], [1], [0, 0, 1, 1], [], []>, transpose_lhs_hint = false} : vector<512x520xf32>, vector<520x8xf32>, vector<512x8xf32> -> vector<512x8xf32>
    %sub3A_29 = arith.subf %select_n3A, %dot_general3A_28 : vector<512x8xf32>
    %exp3A = math.exp %sub3A_29 : vector<512x8xf32>
    %get3A_30 = arith.constant 0 : index
    %get3A_31 = arith.constant 0 : index
    %get3A_32 = vector.load %arg6[%get3A_30, %get3A_31] : memref<8x256xf32, #tpu.memory_space<vmem>>, vector<8x256xf32>
    %dot_general3A_33 = arith.constant dense<0.000000e+00> : vector<512x256xf32>
    %dot_general3A_34 = tpu.matmul %exp3A, %get3A_32, %dot_general3A_33 {dimension_numbers = #tpu.dot_dimension_numbers<[1], [0], [0], [1], [0, 0, 1, 1], [], []>, transpose_lhs_hint = false} : vector<512x8xf32>, vector<8x256xf32>, vector<512x256xf32> -> vector<512x256xf32>
    %transpose3A = tpu.transpose %convert_element_type3A_11, [1, 0] : vector<512x520xf32> -> vector<520x512xf32>
    %dot_general3A_35 = arith.constant dense<0.000000e+00> : vector<520x8xf32>
    %dot_general3A_36 = tpu.matmul %transpose3A, %exp3A, %dot_general3A_35 {dimension_numbers = #tpu.dot_dimension_numbers<[1], [0], [0], [1], [0, 0, 1, 1], [], []>, transpose_lhs_hint = false} : vector<520x512xf32>, vector<512x8xf32>, vector<520x8xf32> -> vector<520x8xf32>
    %transpose3A_37 = tpu.transpose %convert_element_type3A_11, [1, 0] : vector<512x520xf32> -> vector<520x512xf32>
    %get3A_38 = arith.constant 0 : index
    %get3A_39 = arith.constant 0 : index
    %get3A_40 = vector.load %arg3[%get3A_38, %get3A_39] : memref<512x256xf32, #tpu.memory_space<vmem>>, vector<512x256xf32>
    %mul3A_41 = arith.mulf %dot_general3A_34, %get3A_40 : vector<512x256xf32>
    %dot_general3A_42 = arith.constant dense<0.000000e+00> : vector<520x256xf32>
    %dot_general3A_43 = tpu.matmul %transpose3A_37, %mul3A_41, %dot_general3A_42 {dimension_numbers = #tpu.dot_dimension_numbers<[1], [0], [0], [1], [0, 0, 1, 1], [], []>, transpose_lhs_hint = false} : vector<520x512xf32>, vector<512x256xf32>, vector<520x256xf32> -> vector<520x256xf32>
    %get3A_44 = arith.index_cast %mul3A_3 : i32 to index
    %get3A_45 = arith.constant 0 : index
    %get3A_46 = vector.load %arg8[%get3A_44, %get3A_45] : memref<10240x8xf32, #tpu.memory_space<vmem>>, vector<520x8xf32>
    %add3A_47 = arith.addf %get3A_46, %dot_general3A_36 : vector<520x8xf32>
    %swap3A = arith.index_cast %mul3A_3 : i32 to index
    %swap3A_48 = arith.constant 0 : index
    %swap3A_49 = vector.load %arg8[%swap3A, %swap3A_48] : memref<10240x8xf32, #tpu.memory_space<vmem>>, vector<520x8xf32>
    tpu.vector_store %arg8[%swap3A, %swap3A_48], %add3A_47 {strides = array<i32>} : memref<10240x8xf32, #tpu.memory_space<vmem>>, vector<520x8xf32>,
    %get3A_50 = arith.index_cast %mul3A_3 : i32 to index
    %get3A_51 = arith.constant 0 : index
    %get3A_52 = vector.load %arg9[%get3A_50, %get3A_51] : memref<10240x256xf32, #tpu.memory_space<vmem>>, vector<520x256xf32>
    %add3A_53 = arith.addf %get3A_52, %dot_general3A_43 : vector<520x256xf32>
    %swap3A_54 = arith.index_cast %mul3A_3 : i32 to index
    %swap3A_55 = arith.constant 0 : index
    %swap3A_56 = vector.load %arg9[%swap3A_54, %swap3A_55] : memref<10240x256xf32, #tpu.memory_space<vmem>>, vector<520x256xf32>
    tpu.vector_store %arg9[%swap3A_54, %swap3A_55], %add3A_53 {strides = array<i32>} : memref<10240x256xf32, #tpu.memory_space<vmem>>, vector<520x256xf32>,
    return
  }
  func.func @transform_0(%arg0: i32) -> (i32, i32) {
    %c0_i32 = arith.constant 0 : i32
    %c0_i32_0 = arith.constant 0 : i32
    return %arg0, %c0_i32 : i32, i32
  }
  func.func @transform_1(%arg0: i32) -> (i32, i32) {
    %c0_i32 = arith.constant 0 : i32
    %c0_i32_0 = arith.constant 0 : i32
    return %arg0, %c0_i32 : i32, i32
  }
  func.func @transform_2(%arg0: i32) -> (i32, i32) {
    %c0_i32 = arith.constant 0 : i32
    %c0_i32_0 = arith.constant 0 : i32
    return %arg0, %c0_i32 : i32, i32
  }
  func.func @transform_3(%arg0: i32) -> (i32, i32) {
    %c0_i32 = arith.constant 0 : i32
    %c0_i32_0 = arith.constant 0 : i32
    %c0_i32_1 = arith.constant 0 : i32
    return %c0_i32, %c0_i32_0 : i32, i32
  }
  func.func @transform_4(%arg0: i32) -> (i32, i32) {
    %c0_i32 = arith.constant 0 : i32
    %c0_i32_0 = arith.constant 0 : i32
    %c0_i32_1 = arith.constant 0 : i32
    return %c0_i32, %c0_i32_0 : i32, i32
  }
  func.func @transform_5(%arg0: i32) -> (i32, i32) {
    %c0_i32 = arith.constant 0 : i32
    %c0_i32_0 = arith.constant 0 : i32
    %c0_i32_1 = arith.constant 0 : i32
    return %c0_i32, %c0_i32_0 : i32, i32
  }
  func.func @transform_6(%arg0: i32) -> i32 {
    %c0_i32 = arith.constant 0 : i32
    %c0_i32_0 = arith.constant 0 : i32
    return %c0_i32 : i32
  }
  func.func @transform_7(%arg0: i32) -> (i32, i32) {
    %c0_i32 = arith.constant 0 : i32
    %c0_i32_0 = arith.constant 0 : i32
    %c0_i32_1 = arith.constant 0 : i32
    return %c0_i32, %c0_i32_0 : i32, i32
  }
  func.func @transform_8(%arg0: i32) -> (i32, i32) {
    %c0_i32 = arith.constant 0 : i32
    %c0_i32_0 = arith.constant 0 : i32
    %c0_i32_1 = arith.constant 0 : i32
    return %c0_i32, %c0_i32_0 : i32, i32
  }
}

module attributes {stable_mosaic.version = 14 : i64} {
  func.func @_final_body(%arg0: memref<10240x256xf32, #tpu.memory_space<vmem>>, %arg1: memref<10240x8xf32, #tpu.memory_space<vmem>>, %arg2: memref<8x256xf32, #tpu.memory_space<vmem>>, %arg3: memref<10240x256xf32, #tpu.memory_space<vmem>>, %arg4: memref<10240x256xf32, #tpu.memory_space<vmem>>) attributes {dimension_semantics = [], scalar_prefetch = 0 : i64, scratch_operands = 0 : i64, tpu.core_type = #tpu.core_type<tc>} {
    %get3A = arith.constant 0 : index
    %get3A_0 = arith.constant 0 : index
    %get3A_1 = vector.load %arg1[%get3A, %get3A_0] : memref<10240x8xf32, #tpu.memory_space<vmem>>, vector<10240x8xf32>
    %get3A_2 = arith.constant 0 : index
    %get3A_3 = arith.constant 0 : index
    %get3A_4 = vector.load %arg2[%get3A_2, %get3A_3] : memref<8x256xf32, #tpu.memory_space<vmem>>, vector<8x256xf32>
    %dot_general3A = arith.constant dense<0.000000e+00> : vector<10240x256xf32>
    %dot_general3A_5 = tpu.matmul %get3A_1, %get3A_4, %dot_general3A {dimension_numbers = #tpu.dot_dimension_numbers<[1], [0], [0], [1], [0, 0, 1, 1], [], []>, transpose_lhs_hint = false} : vector<10240x8xf32>, vector<8x256xf32>, vector<10240x256xf32> -> vector<10240x256xf32>
    %get3A_6 = arith.constant 0 : index
    %get3A_7 = arith.constant 0 : index
    %get3A_8 = vector.load %arg0[%get3A_6, %get3A_7] : memref<10240x256xf32, #tpu.memory_space<vmem>>, vector<10240x256xf32>
    %add3A = arith.constant 1.000000e-16 : f32
    %add3A_9 = vector.broadcast %add3A : f32 to vector<10240x256xf32>
    %add3A_10 = arith.addf %dot_general3A_5, %add3A_9 : vector<10240x256xf32>
    %div3A = arith.divf %get3A_8, %add3A_10 : vector<10240x256xf32>
    %get3A_11 = arith.constant 0 : index
    %get3A_12 = arith.constant 0 : index
    %get3A_13 = vector.load %arg3[%get3A_11, %get3A_12] : memref<10240x256xf32, #tpu.memory_space<vmem>>, vector<10240x256xf32>
    %add3A_14 = arith.addf %div3A, %get3A_13 : vector<10240x256xf32>
    %ge3A = arith.constant 0.000000e+00 : f32
    %ge3A_15 = vector.broadcast %ge3A : f32 to vector<10240x256xf32>
    %ge3A_16 = arith.cmpf oge, %add3A_14, %ge3A_15 : vector<10240x256xf32>
    %mul3A = arith.constant 2.000000e-01 : f32
    %mul3A_17 = vector.broadcast %mul3A : f32 to vector<10240x256xf32>
    %mul3A_18 = arith.mulf %mul3A_17, %add3A_14 : vector<10240x256xf32>
    %select_n3A = arith.select %ge3A_16, %add3A_14, %mul3A_18 : vector<10240x256xi1>, vector<10240x256xf32>
    %swap3A = arith.constant 0 : index
    %swap3A_19 = arith.constant 0 : index
    %swap3A_20 = vector.load %arg4[%swap3A, %swap3A_19] : memref<10240x256xf32, #tpu.memory_space<vmem>>, vector<10240x256xf32>
    tpu.vector_store %arg4[%swap3A, %swap3A_19], %select_n3A {strides = array<i32>} : memref<10240x256xf32, #tpu.memory_space<vmem>>, vector<10240x256xf32>,
    return
  }
}

module attributes {stable_mosaic.version = 14 : i64} {
  func.func @_node_body(%arg0: memref<10240x256xf32, #tpu.memory_space<vmem>>, %arg1: memref<256x256xf32, #tpu.memory_space<vmem>>, %arg2: memref<256x8xf32, #tpu.memory_space<vmem>>, %arg3: memref<256x8xf32, #tpu.memory_space<vmem>>, %arg4: memref<10240x256xf32, #tpu.memory_space<vmem>>, %arg5: memref<10240x8xf32, #tpu.memory_space<vmem>>, %arg6: memref<10240x8xf32, #tpu.memory_space<vmem>>) attributes {dimension_semantics = [], scalar_prefetch = 0 : i64, scratch_operands = 0 : i64, tpu.core_type = #tpu.core_type<tc>} {
    %get3A = arith.constant 0 : index
    %get3A_0 = arith.constant 0 : index
    %get3A_1 = vector.load %arg0[%get3A, %get3A_0] : memref<10240x256xf32, #tpu.memory_space<vmem>>, vector<10240x256xf32>
    %get3A_2 = arith.constant 0 : index
    %get3A_3 = arith.constant 0 : index
    %get3A_4 = vector.load %arg1[%get3A_2, %get3A_3] : memref<256x256xf32, #tpu.memory_space<vmem>>, vector<256x256xf32>
    %dot_general3A = arith.constant dense<0.000000e+00> : vector<10240x256xf32>
    %dot_general3A_5 = tpu.matmul %get3A_1, %get3A_4, %dot_general3A {dimension_numbers = #tpu.dot_dimension_numbers<[1], [0], [0], [1], [0, 0, 1, 1], [], []>, transpose_lhs_hint = false} : vector<10240x256xf32>, vector<256x256xf32>, vector<10240x256xf32> -> vector<10240x256xf32>
    %swap3A = arith.constant 0 : index
    %swap3A_6 = arith.constant 0 : index
    %swap3A_7 = vector.load %arg4[%swap3A, %swap3A_6] : memref<10240x256xf32, #tpu.memory_space<vmem>>, vector<10240x256xf32>
    tpu.vector_store %arg4[%swap3A, %swap3A_6], %dot_general3A_5 {strides = array<i32>} : memref<10240x256xf32, #tpu.memory_space<vmem>>, vector<10240x256xf32>,
    %get3A_8 = arith.constant 0 : index
    %get3A_9 = arith.constant 0 : index
    %get3A_10 = vector.load %arg2[%get3A_8, %get3A_9] : memref<256x8xf32, #tpu.memory_space<vmem>>, vector<256x8xf32>
    %dot_general3A_11 = arith.constant dense<0.000000e+00> : vector<10240x8xf32>
    %dot_general3A_12 = tpu.matmul %dot_general3A_5, %get3A_10, %dot_general3A_11 {dimension_numbers = #tpu.dot_dimension_numbers<[1], [0], [0], [1], [0, 0, 1, 1], [], []>, transpose_lhs_hint = false} : vector<10240x256xf32>, vector<256x8xf32>, vector<10240x8xf32> -> vector<10240x8xf32>
    %swap3A_13 = arith.constant 0 : index
    %swap3A_14 = arith.constant 0 : index
    %swap3A_15 = vector.load %arg5[%swap3A_13, %swap3A_14] : memref<10240x8xf32, #tpu.memory_space<vmem>>, vector<10240x8xf32>
    tpu.vector_store %arg5[%swap3A_13, %swap3A_14], %dot_general3A_12 {strides = array<i32>} : memref<10240x8xf32, #tpu.memory_space<vmem>>, vector<10240x8xf32>,
    %get3A_16 = arith.constant 0 : index
    %get3A_17 = arith.constant 0 : index
    %get3A_18 = vector.load %arg3[%get3A_16, %get3A_17] : memref<256x8xf32, #tpu.memory_space<vmem>>, vector<256x8xf32>
    %dot_general3A_19 = arith.constant dense<0.000000e+00> : vector<10240x8xf32>
    %dot_general3A_20 = tpu.matmul %dot_general3A_5, %get3A_18, %dot_general3A_19 {dimension_numbers = #tpu.dot_dimension_numbers<[1], [0], [0], [1], [0, 0, 1, 1], [], []>, transpose_lhs_hint = false} : vector<10240x256xf32>, vector<256x8xf32>, vector<10240x8xf32> -> vector<10240x8xf32>
    %swap3A_21 = arith.constant 0 : index
    %swap3A_22 = arith.constant 0 : index
    %swap3A_23 = vector.load %arg6[%swap3A_21, %swap3A_22] : memref<10240x8xf32, #tpu.memory_space<vmem>>, vector<10240x8xf32>
    tpu.vector_store %arg6[%swap3A_21, %swap3A_22], %dot_general3A_20 {strides = array<i32>} : memref<10240x8xf32, #tpu.memory_space<vmem>>, vector<10240x8xf32>,
    return
  }
}

module attributes {stable_mosaic.version = 14 : i64} {
  func.func @_node_body(%arg0: memref<10240x256xf32, #tpu.memory_space<vmem>>, %arg1: memref<256x128xf32, #tpu.memory_space<vmem>>, %arg2: memref<128x1xf32, #tpu.memory_space<vmem>>, %arg3: memref<128x1xf32, #tpu.memory_space<vmem>>, %arg4: memref<10240x128xf32, #tpu.memory_space<vmem>>, %arg5: memref<10240x1xf32, #tpu.memory_space<vmem>>, %arg6: memref<10240x1xf32, #tpu.memory_space<vmem>>) attributes {dimension_semantics = [], scalar_prefetch = 0 : i64, scratch_operands = 0 : i64, tpu.core_type = #tpu.core_type<tc>} {
    %get3A = arith.constant 0 : index
    %get3A_0 = arith.constant 0 : index
    %get3A_1 = vector.load %arg0[%get3A, %get3A_0] : memref<10240x256xf32, #tpu.memory_space<vmem>>, vector<10240x256xf32>
    %get3A_2 = arith.constant 0 : index
    %get3A_3 = arith.constant 0 : index
    %get3A_4 = vector.load %arg1[%get3A_2, %get3A_3] : memref<256x128xf32, #tpu.memory_space<vmem>>, vector<256x128xf32>
    %dot_general3A = arith.constant dense<0.000000e+00> : vector<10240x128xf32>
    %dot_general3A_5 = tpu.matmul %get3A_1, %get3A_4, %dot_general3A {dimension_numbers = #tpu.dot_dimension_numbers<[1], [0], [0], [1], [0, 0, 1, 1], [], []>, transpose_lhs_hint = false} : vector<10240x256xf32>, vector<256x128xf32>, vector<10240x128xf32> -> vector<10240x128xf32>
    %swap3A = arith.constant 0 : index
    %swap3A_6 = arith.constant 0 : index
    %swap3A_7 = vector.load %arg4[%swap3A, %swap3A_6] : memref<10240x128xf32, #tpu.memory_space<vmem>>, vector<10240x128xf32>
    tpu.vector_store %arg4[%swap3A, %swap3A_6], %dot_general3A_5 {strides = array<i32>} : memref<10240x128xf32, #tpu.memory_space<vmem>>, vector<10240x128xf32>,
    %get3A_8 = arith.constant 0 : index
    %get3A_9 = arith.constant 0 : index
    %get3A_10 = vector.load %arg2[%get3A_8, %get3A_9] : memref<128x1xf32, #tpu.memory_space<vmem>>, vector<128x1xf32>
    %dot_general3A_11 = arith.constant dense<0.000000e+00> : vector<10240x1xf32>
    %dot_general3A_12 = tpu.matmul %dot_general3A_5, %get3A_10, %dot_general3A_11 {dimension_numbers = #tpu.dot_dimension_numbers<[1], [0], [0], [1], [0, 0, 1, 1], [], []>, transpose_lhs_hint = false} : vector<10240x128xf32>, vector<128x1xf32>, vector<10240x1xf32> -> vector<10240x1xf32>
    %swap3A_13 = arith.constant 0 : index
    %swap3A_14 = arith.constant 0 : index
    %swap3A_15 = vector.load %arg5[%swap3A_13, %swap3A_14] : memref<10240x1xf32, #tpu.memory_space<vmem>>, vector<10240x1xf32>
    tpu.vector_store %arg5[%swap3A_13, %swap3A_14], %dot_general3A_12 {strides = array<i32>} : memref<10240x1xf32, #tpu.memory_space<vmem>>, vector<10240x1xf32>,
    %get3A_16 = arith.constant 0 : index
    %get3A_17 = arith.constant 0 : index
    %get3A_18 = vector.load %arg3[%get3A_16, %get3A_17] : memref<128x1xf32, #tpu.memory_space<vmem>>, vector<128x1xf32>
    %dot_general3A_19 = arith.constant dense<0.000000e+00> : vector<10240x1xf32>
    %dot_general3A_20 = tpu.matmul %dot_general3A_5, %get3A_18, %dot_general3A_19 {dimension_numbers = #tpu.dot_dimension_numbers<[1], [0], [0], [1], [0, 0, 1, 1], [], []>, transpose_lhs_hint = false} : vector<10240x128xf32>, vector<128x1xf32>, vector<10240x1xf32> -> vector<10240x1xf32>
    %swap3A_21 = arith.constant 0 : index
    %swap3A_22 = arith.constant 0 : index
    %swap3A_23 = vector.load %arg6[%swap3A_21, %swap3A_22] : memref<10240x1xf32, #tpu.memory_space<vmem>>, vector<10240x1xf32>
    tpu.vector_store %arg6[%swap3A_21, %swap3A_22], %dot_general3A_20 {strides = array<i32>} : memref<10240x1xf32, #tpu.memory_space<vmem>>, vector<10240x1xf32>,
    return
  }
}

module attributes {stable_mosaic.version = 14 : i64} {
  func.func @_max_body(%arg0: i32, %arg1: memref<512x1xf32, #tpu.memory_space<vmem>>, %arg2: memref<512x1xi32, #tpu.memory_space<vmem>>, %arg3: memref<10240x1xf32, #tpu.memory_space<vmem>>, %arg4: memref<645xi32, #tpu.memory_space<smem>>, %arg5: memref<10240x1xf32, #tpu.memory_space<vmem>>) attributes {dimension_semantics = [#tpu.dimension_semantics<arbitrary>], iteration_bounds = array<i64: 645>, scalar_prefetch = 0 : i64, scratch_operands = 0 : i64, tpu.core_type = #tpu.core_type<tc>, window_params = [{transform_indices = @transform_0, window_bounds = array<i64: 512, 1>}, {transform_indices = @transform_1, window_bounds = array<i64: 512, 1>}, {pipeline_mode = #tpu.pipeline_mode<synchronous>, transform_indices = @transform_2, window_bounds = array<i64: 10240, 1>}, {transform_indices = @transform_3, window_bounds = array<i64: 645>}, {pipeline_mode = #tpu.pipeline_mode<synchronous>, transform_indices = @transform_4, window_bounds = array<i64: 10240, 1>}]} {
    %eq3A = arith.constant 0 : i32
    %eq3A_0 = arith.cmpi eq, %arg0, %eq3A : i32
    %convert_element_type3A = arith.extui %eq3A_0 : i1 to i32
    %cond3A = arith.constant 0 : i32
    %cond3A_1 = arith.cmpi ne, %convert_element_type3A, %cond3A : i32
    scf.if %cond3A_1 {
      %broadcast_in_dim3A_34 = arith.constant -1.000000e+30 : f32
      %broadcast_in_dim3A_35 = vector.broadcast %broadcast_in_dim3A_34 : f32 to vector<10240x1xf32>
      %swap3A_36 = arith.constant 0 : index
      %swap3A_37 = arith.constant 0 : index
      %swap3A_38 = vector.load %arg5[%swap3A_36, %swap3A_37] : memref<10240x1xf32, #tpu.memory_space<vmem>>, vector<10240x1xf32>
      tpu.vector_store %arg5[%swap3A_36, %swap3A_37], %broadcast_in_dim3A_35 {strides = array<i32>} : memref<10240x1xf32, #tpu.memory_space<vmem>>, vector<10240x1xf32>,
    } else {
    }
    %get3A = arith.index_cast %arg0 : i32 to index
    %get3A_2 = memref.load %arg4[%get3A] : memref<645xi32, #tpu.memory_space<smem>>
    %mul3A = arith.constant 8 : i32
    %mul3A_3 = arith.muli %get3A_2, %mul3A : i32
    %get3A_4 = arith.constant 0 : index
    %get3A_5 = arith.constant 0 : index
    %get3A_6 = vector.load %arg2[%get3A_4, %get3A_5] : memref<512x1xi32, #tpu.memory_space<vmem>>, vector<512x1xi32>
    %sub3A = vector.broadcast %mul3A_3 : i32 to vector<512x1xi32>
    %sub3A_7 = arith.subi %get3A_6, %sub3A : vector<512x1xi32>
    %iota3A = tpu.iota {dimensions = array<i32: 1>} : vector<512x520xi32>
    %eq3A_8 = vector.broadcast %sub3A_7 : vector<512x1xi32> to vector<512x520xi32>
    %eq3A_9 = arith.cmpi eq, %eq3A_8, %iota3A : vector<512x520xi32>
    %convert_element_type3A_10 = arith.extui %eq3A_9 : vector<512x520xi1> to vector<512x520xi32>
    %convert_element_type3A_11 = arith.sitofp %convert_element_type3A_10 : vector<512x520xi32> to vector<512x520xf32>
    %get3A_12 = arith.index_cast %mul3A_3 : i32 to index
    %get3A_13 = arith.constant 0 : index
    %get3A_14 = vector.load %arg3[%get3A_12, %get3A_13] : memref<10240x1xf32, #tpu.memory_space<vmem>>, vector<520x1xf32>
    %dot_general3A = arith.constant dense<0.000000e+00> : vector<512x1xf32>
    %dot_general3A_15 = tpu.matmul %convert_element_type3A_11, %get3A_14, %dot_general3A {dimension_numbers = #tpu.dot_dimension_numbers<[1], [0], [0], [1], [0, 0, 1, 1], [], []>, transpose_lhs_hint = false} : vector<512x520xf32>, vector<520x1xf32>, vector<512x1xf32> -> vector<512x1xf32>
    %get3A_16 = arith.constant 0 : index
    %get3A_17 = arith.constant 0 : index
    %get3A_18 = vector.load %arg1[%get3A_16, %get3A_17] : memref<512x1xf32, #tpu.memory_space<vmem>>, vector<512x1xf32>
    %add3A = arith.addf %get3A_18, %dot_general3A_15 : vector<512x1xf32>
    %ge3A = arith.constant 0.000000e+00 : f32
    %ge3A_19 = vector.broadcast %ge3A : f32 to vector<512x1xf32>
    %ge3A_20 = arith.cmpf oge, %add3A, %ge3A_19 : vector<512x1xf32>
    %mul3A_21 = arith.constant 2.000000e-01 : f32
    %mul3A_22 = vector.broadcast %mul3A_21 : f32 to vector<512x1xf32>
    %mul3A_23 = arith.mulf %mul3A_22, %add3A : vector<512x1xf32>
    %select_n3A = arith.select %ge3A_20, %add3A, %mul3A_23 : vector<512x1xi1>, vector<512x1xf32>
    %jit3A = arith.constant -1.000000e+30 : f32
    %broadcast_in_dim3A = vector.shape_cast %select_n3A : vector<512x1xf32> to vector<512x1xf32>
    %broadcast_in_dim3A_24 = vector.broadcast %broadcast_in_dim3A : vector<512x1xf32> to vector<512x520xf32>
    %broadcast_in_dim3A_25 = vector.broadcast %jit3A : f32 to vector<512x520xf32>
    %select_n3A_26 = arith.select %eq3A_9, %broadcast_in_dim3A_24, %broadcast_in_dim3A_25 : vector<512x520xi1>, vector<512x520xf32>
    %reduce_max3A = arith.constant dense<0xFF800000> : vector<520xf32>
    %reduce_max3A_27 = vector.multi_reduction <maximumf>, %select_n3A_26, %reduce_max3A [0] : vector<512x520xf32> to vector<520xf32>
    %broadcast_in_dim3A_28 = vector.shape_cast %reduce_max3A_27 : vector<520xf32> to vector<1x520xf32>
    %transpose3A = tpu.transpose %broadcast_in_dim3A_28, [1, 0] : vector<1x520xf32> -> vector<520x1xf32>
    %get3A_29 = arith.index_cast %mul3A_3 : i32 to index
    %get3A_30 = arith.constant 0 : index
    %get3A_31 = vector.load %arg5[%get3A_29, %get3A_30] : memref<10240x1xf32, #tpu.memory_space<vmem>>, vector<520x1xf32>
    %max3A = arith.maximumf %get3A_31, %transpose3A : vector<520x1xf32>
    %swap3A = arith.index_cast %mul3A_3 : i32 to index
    %swap3A_32 = arith.constant 0 : index
    %swap3A_33 = vector.load %arg5[%swap3A, %swap3A_32] : memref<10240x1xf32, #tpu.memory_space<vmem>>, vector<520x1xf32>
    tpu.vector_store %arg5[%swap3A, %swap3A_32], %max3A {strides = array<i32>} : memref<10240x1xf32, #tpu.memory_space<vmem>>, vector<520x1xf32>,
    return
  }
  func.func @transform_0(%arg0: i32) -> (i32, i32) {
    %c0_i32 = arith.constant 0 : i32
    %c0_i32_0 = arith.constant 0 : i32
    return %arg0, %c0_i32 : i32, i32
  }
  func.func @transform_1(%arg0: i32) -> (i32, i32) {
    %c0_i32 = arith.constant 0 : i32
    %c0_i32_0 = arith.constant 0 : i32
    return %arg0, %c0_i32 : i32, i32
  }
  func.func @transform_2(%arg0: i32) -> (i32, i32) {
    %c0_i32 = arith.constant 0 : i32
    %c0_i32_0 = arith.constant 0 : i32
    %c0_i32_1 = arith.constant 0 : i32
    return %c0_i32, %c0_i32_0 : i32, i32
  }
  func.func @transform_3(%arg0: i32) -> i32 {
    %c0_i32 = arith.constant 0 : i32
    %c0_i32_0 = arith.constant 0 : i32
    return %c0_i32 : i32
  }
  func.func @transform_4(%arg0: i32) -> (i32, i32) {
    %c0_i32 = arith.constant 0 : i32
    %c0_i32_0 = arith.constant 0 : i32
    %c0_i32_1 = arith.constant 0 : i32
    return %c0_i32, %c0_i32_0 : i32, i32
  }
}

module attributes {stable_mosaic.version = 14 : i64} {
  func.func @_acc_body(%arg0: i32, %arg1: memref<512x1xf32, #tpu.memory_space<vmem>>, %arg2: memref<512x1xi32, #tpu.memory_space<vmem>>, %arg3: memref<512x128xf32, #tpu.memory_space<vmem>>, %arg4: memref<10240x1xf32, #tpu.memory_space<vmem>>, %arg5: memref<10240x1xf32, #tpu.memory_space<vmem>>, %arg6: memref<1x128xf32, #tpu.memory_space<vmem>>, %arg7: memref<645xi32, #tpu.memory_space<smem>>, %arg8: memref<10240x1xf32, #tpu.memory_space<vmem>>, %arg9: memref<10240x128xf32, #tpu.memory_space<vmem>>) attributes {dimension_semantics = [#tpu.dimension_semantics<arbitrary>], iteration_bounds = array<i64: 645>, scalar_prefetch = 0 : i64, scratch_operands = 0 : i64, tpu.core_type = #tpu.core_type<tc>, window_params = [{transform_indices = @transform_0, window_bounds = array<i64: 512, 1>}, {transform_indices = @transform_1, window_bounds = array<i64: 512, 1>}, {transform_indices = @transform_2, window_bounds = array<i64: 512, 128>}, {pipeline_mode = #tpu.pipeline_mode<synchronous>, transform_indices = @transform_3, window_bounds = array<i64: 10240, 1>}, {pipeline_mode = #tpu.pipeline_mode<synchronous>, transform_indices = @transform_4, window_bounds = array<i64: 10240, 1>}, {pipeline_mode = #tpu.pipeline_mode<synchronous>, transform_indices = @transform_5, window_bounds = array<i64: 1, 128>}, {transform_indices = @transform_6, window_bounds = array<i64: 645>}, {pipeline_mode = #tpu.pipeline_mode<synchronous>, transform_indices = @transform_7, window_bounds = array<i64: 10240, 1>}, {pipeline_mode = #tpu.pipeline_mode<synchronous>, transform_indices = @transform_8, window_bounds = array<i64: 10240, 128>}]} {
    %eq3A = arith.constant 0 : i32
    %eq3A_0 = arith.cmpi eq, %arg0, %eq3A : i32
    %convert_element_type3A = arith.extui %eq3A_0 : i1 to i32
    %cond3A = arith.constant 0 : i32
    %cond3A_1 = arith.cmpi ne, %convert_element_type3A, %cond3A : i32
    scf.if %cond3A_1 {
      %broadcast_in_dim3A = arith.constant 0.000000e+00 : f32
      %broadcast_in_dim3A_57 = vector.broadcast %broadcast_in_dim3A : f32 to vector<10240x1xf32>
      %swap3A_58 = arith.constant 0 : index
      %swap3A_59 = arith.constant 0 : index
      %swap3A_60 = vector.load %arg8[%swap3A_58, %swap3A_59] : memref<10240x1xf32, #tpu.memory_space<vmem>>, vector<10240x1xf32>
      tpu.vector_store %arg8[%swap3A_58, %swap3A_59], %broadcast_in_dim3A_57 {strides = array<i32>} : memref<10240x1xf32, #tpu.memory_space<vmem>>, vector<10240x1xf32>,
      %broadcast_in_dim3A_61 = arith.constant 0.000000e+00 : f32
      %broadcast_in_dim3A_62 = vector.broadcast %broadcast_in_dim3A_61 : f32 to vector<10240x128xf32>
      %swap3A_63 = arith.constant 0 : index
      %swap3A_64 = arith.constant 0 : index
      %swap3A_65 = vector.load %arg9[%swap3A_63, %swap3A_64] : memref<10240x128xf32, #tpu.memory_space<vmem>>, vector<10240x128xf32>
      tpu.vector_store %arg9[%swap3A_63, %swap3A_64], %broadcast_in_dim3A_62 {strides = array<i32>} : memref<10240x128xf32, #tpu.memory_space<vmem>>, vector<10240x128xf32>,
    } else {
    }
    %get3A = arith.index_cast %arg0 : i32 to index
    %get3A_2 = memref.load %arg7[%get3A] : memref<645xi32, #tpu.memory_space<smem>>
    %mul3A = arith.constant 8 : i32
    %mul3A_3 = arith.muli %get3A_2, %mul3A : i32
    %get3A_4 = arith.constant 0 : index
    %get3A_5 = arith.constant 0 : index
    %get3A_6 = vector.load %arg2[%get3A_4, %get3A_5] : memref<512x1xi32, #tpu.memory_space<vmem>>, vector<512x1xi32>
    %sub3A = vector.broadcast %mul3A_3 : i32 to vector<512x1xi32>
    %sub3A_7 = arith.subi %get3A_6, %sub3A : vector<512x1xi32>
    %iota3A = tpu.iota {dimensions = array<i32: 1>} : vector<512x520xi32>
    %eq3A_8 = vector.broadcast %sub3A_7 : vector<512x1xi32> to vector<512x520xi32>
    %eq3A_9 = arith.cmpi eq, %eq3A_8, %iota3A : vector<512x520xi32>
    %convert_element_type3A_10 = arith.extui %eq3A_9 : vector<512x520xi1> to vector<512x520xi32>
    %convert_element_type3A_11 = arith.sitofp %convert_element_type3A_10 : vector<512x520xi32> to vector<512x520xf32>
    %get3A_12 = arith.index_cast %mul3A_3 : i32 to index
    %get3A_13 = arith.constant 0 : index
    %get3A_14 = vector.load %arg4[%get3A_12, %get3A_13] : memref<10240x1xf32, #tpu.memory_space<vmem>>, vector<520x1xf32>
    %dot_general3A = arith.constant dense<0.000000e+00> : vector<512x1xf32>
    %dot_general3A_15 = tpu.matmul %convert_element_type3A_11, %get3A_14, %dot_general3A {dimension_numbers = #tpu.dot_dimension_numbers<[1], [0], [0], [1], [0, 0, 1, 1], [], []>, transpose_lhs_hint = false} : vector<512x520xf32>, vector<520x1xf32>, vector<512x1xf32> -> vector<512x1xf32>
    %get3A_16 = arith.constant 0 : index
    %get3A_17 = arith.constant 0 : index
    %get3A_18 = vector.load %arg1[%get3A_16, %get3A_17] : memref<512x1xf32, #tpu.memory_space<vmem>>, vector<512x1xf32>
    %add3A = arith.addf %get3A_18, %dot_general3A_15 : vector<512x1xf32>
    %ge3A = arith.constant 0.000000e+00 : f32
    %ge3A_19 = vector.broadcast %ge3A : f32 to vector<512x1xf32>
    %ge3A_20 = arith.cmpf oge, %add3A, %ge3A_19 : vector<512x1xf32>
    %mul3A_21 = arith.constant 2.000000e-01 : f32
    %mul3A_22 = vector.broadcast %mul3A_21 : f32 to vector<512x1xf32>
    %mul3A_23 = arith.mulf %mul3A_22, %add3A : vector<512x1xf32>
    %select_n3A = arith.select %ge3A_20, %add3A, %mul3A_23 : vector<512x1xi1>, vector<512x1xf32>
    %get3A_24 = arith.index_cast %mul3A_3 : i32 to index
    %get3A_25 = arith.constant 0 : index
    %get3A_26 = vector.load %arg5[%get3A_24, %get3A_25] : memref<10240x1xf32, #tpu.memory_space<vmem>>, vector<520x1xf32>
    %dot_general3A_27 = arith.constant dense<0.000000e+00> : vector<512x1xf32>
    %dot_general3A_28 = tpu.matmul %convert_element_type3A_11, %get3A_26, %dot_general3A_27 {dimension_numbers = #tpu.dot_dimension_numbers<[1], [0], [0], [1], [0, 0, 1, 1], [], []>, transpose_lhs_hint = false} : vector<512x520xf32>, vector<520x1xf32>, vector<512x1xf32> -> vector<512x1xf32>
    %sub3A_29 = arith.subf %select_n3A, %dot_general3A_28 : vector<512x1xf32>
    %exp3A = math.exp %sub3A_29 : vector<512x1xf32>
    %get3A_30 = arith.constant 0 : index
    %get3A_31 = arith.constant 0 : index
    %get3A_32 = vector.load %arg6[%get3A_30, %get3A_31] : memref<1x128xf32, #tpu.memory_space<vmem>>, vector<1x128xf32>
    %dot_general3A_33 = arith.constant dense<0.000000e+00> : vector<512x128xf32>
    %dot_general3A_34 = tpu.matmul %exp3A, %get3A_32, %dot_general3A_33 {dimension_numbers = #tpu.dot_dimension_numbers<[1], [0], [0], [1], [0, 0, 1, 1], [], []>, transpose_lhs_hint = false} : vector<512x1xf32>, vector<1x128xf32>, vector<512x128xf32> -> vector<512x128xf32>
    %transpose3A = tpu.transpose %convert_element_type3A_11, [1, 0] : vector<512x520xf32> -> vector<520x512xf32>
    %dot_general3A_35 = arith.constant dense<0.000000e+00> : vector<520x1xf32>
    %dot_general3A_36 = tpu.matmul %transpose3A, %exp3A, %dot_general3A_35 {dimension_numbers = #tpu.dot_dimension_numbers<[1], [0], [0], [1], [0, 0, 1, 1], [], []>, transpose_lhs_hint = false} : vector<520x512xf32>, vector<512x1xf32>, vector<520x1xf32> -> vector<520x1xf32>
    %transpose3A_37 = tpu.transpose %convert_element_type3A_11, [1, 0] : vector<512x520xf32> -> vector<520x512xf32>
    %get3A_38 = arith.constant 0 : index
    %get3A_39 = arith.constant 0 : index
    %get3A_40 = vector.load %arg3[%get3A_38, %get3A_39] : memref<512x128xf32, #tpu.memory_space<vmem>>, vector<512x128xf32>
    %mul3A_41 = arith.mulf %dot_general3A_34, %get3A_40 : vector<512x128xf32>
    %dot_general3A_42 = arith.constant dense<0.000000e+00> : vector<520x128xf32>
    %dot_general3A_43 = tpu.matmul %transpose3A_37, %mul3A_41, %dot_general3A_42 {dimension_numbers = #tpu.dot_dimension_numbers<[1], [0], [0], [1], [0, 0, 1, 1], [], []>, transpose_lhs_hint = false} : vector<520x512xf32>, vector<512x128xf32>, vector<520x128xf32> -> vector<520x128xf32>
    %get3A_44 = arith.index_cast %mul3A_3 : i32 to index
    %get3A_45 = arith.constant 0 : index
    %get3A_46 = vector.load %arg8[%get3A_44, %get3A_45] : memref<10240x1xf32, #tpu.memory_space<vmem>>, vector<520x1xf32>
    %add3A_47 = arith.addf %get3A_46, %dot_general3A_36 : vector<520x1xf32>
    %swap3A = arith.index_cast %mul3A_3 : i32 to index
    %swap3A_48 = arith.constant 0 : index
    %swap3A_49 = vector.load %arg8[%swap3A, %swap3A_48] : memref<10240x1xf32, #tpu.memory_space<vmem>>, vector<520x1xf32>
    tpu.vector_store %arg8[%swap3A, %swap3A_48], %add3A_47 {strides = array<i32>} : memref<10240x1xf32, #tpu.memory_space<vmem>>, vector<520x1xf32>,
    %get3A_50 = arith.index_cast %mul3A_3 : i32 to index
    %get3A_51 = arith.constant 0 : index
    %get3A_52 = vector.load %arg9[%get3A_50, %get3A_51] : memref<10240x128xf32, #tpu.memory_space<vmem>>, vector<520x128xf32>
    %add3A_53 = arith.addf %get3A_52, %dot_general3A_43 : vector<520x128xf32>
    %swap3A_54 = arith.index_cast %mul3A_3 : i32 to index
    %swap3A_55 = arith.constant 0 : index
    %swap3A_56 = vector.load %arg9[%swap3A_54, %swap3A_55] : memref<10240x128xf32, #tpu.memory_space<vmem>>, vector<520x128xf32>
    tpu.vector_store %arg9[%swap3A_54, %swap3A_55], %add3A_53 {strides = array<i32>} : memref<10240x128xf32, #tpu.memory_space<vmem>>, vector<520x128xf32>,
    return
  }
  func.func @transform_0(%arg0: i32) -> (i32, i32) {
    %c0_i32 = arith.constant 0 : i32
    %c0_i32_0 = arith.constant 0 : i32
    return %arg0, %c0_i32 : i32, i32
  }
  func.func @transform_1(%arg0: i32) -> (i32, i32) {
    %c0_i32 = arith.constant 0 : i32
    %c0_i32_0 = arith.constant 0 : i32
    return %arg0, %c0_i32 : i32, i32
  }
  func.func @transform_2(%arg0: i32) -> (i32, i32) {
    %c0_i32 = arith.constant 0 : i32
    %c0_i32_0 = arith.constant 0 : i32
    return %arg0, %c0_i32 : i32, i32
  }
  func.func @transform_3(%arg0: i32) -> (i32, i32) {
    %c0_i32 = arith.constant 0 : i32
    %c0_i32_0 = arith.constant 0 : i32
    %c0_i32_1 = arith.constant 0 : i32
    return %c0_i32, %c0_i32_0 : i32, i32
  }
  func.func @transform_4(%arg0: i32) -> (i32, i32) {
    %c0_i32 = arith.constant 0 : i32
    %c0_i32_0 = arith.constant 0 : i32
    %c0_i32_1 = arith.constant 0 : i32
    return %c0_i32, %c0_i32_0 : i32, i32
  }
  func.func @transform_5(%arg0: i32) -> (i32, i32) {
    %c0_i32 = arith.constant 0 : i32
    %c0_i32_0 = arith.constant 0 : i32
    %c0_i32_1 = arith.constant 0 : i32
    return %c0_i32, %c0_i32_0 : i32, i32
  }
  func.func @transform_6(%arg0: i32) -> i32 {
    %c0_i32 = arith.constant 0 : i32
    %c0_i32_0 = arith.constant 0 : i32
    return %c0_i32 : i32
  }
  func.func @transform_7(%arg0: i32) -> (i32, i32) {
    %c0_i32 = arith.constant 0 : i32
    %c0_i32_0 = arith.constant 0 : i32
    %c0_i32_1 = arith.constant 0 : i32
    return %c0_i32, %c0_i32_0 : i32, i32
  }
  func.func @transform_8(%arg0: i32) -> (i32, i32) {
    %c0_i32 = arith.constant 0 : i32
    %c0_i32_0 = arith.constant 0 : i32
    %c0_i32_1 = arith.constant 0 : i32
    return %c0_i32, %c0_i32_0 : i32, i32
  }
}

module attributes {stable_mosaic.version = 14 : i64} {
  func.func @_final_body(%arg0: memref<10240x128xf32, #tpu.memory_space<vmem>>, %arg1: memref<10240x1xf32, #tpu.memory_space<vmem>>, %arg2: memref<1x128xf32, #tpu.memory_space<vmem>>, %arg3: memref<10240x128xf32, #tpu.memory_space<vmem>>, %arg4: memref<10240x128xf32, #tpu.memory_space<vmem>>) attributes {dimension_semantics = [], scalar_prefetch = 0 : i64, scratch_operands = 0 : i64, tpu.core_type = #tpu.core_type<tc>} {
    %get3A = arith.constant 0 : index
    %get3A_0 = arith.constant 0 : index
    %get3A_1 = vector.load %arg1[%get3A, %get3A_0] : memref<10240x1xf32, #tpu.memory_space<vmem>>, vector<10240x1xf32>
    %get3A_2 = arith.constant 0 : index
    %get3A_3 = arith.constant 0 : index
    %get3A_4 = vector.load %arg2[%get3A_2, %get3A_3] : memref<1x128xf32, #tpu.memory_space<vmem>>, vector<1x128xf32>
    %dot_general3A = arith.constant dense<0.000000e+00> : vector<10240x128xf32>
    %dot_general3A_5 = tpu.matmul %get3A_1, %get3A_4, %dot_general3A {dimension_numbers = #tpu.dot_dimension_numbers<[1], [0], [0], [1], [0, 0, 1, 1], [], []>, transpose_lhs_hint = false} : vector<10240x1xf32>, vector<1x128xf32>, vector<10240x128xf32> -> vector<10240x128xf32>
    %get3A_6 = arith.constant 0 : index
    %get3A_7 = arith.constant 0 : index
    %get3A_8 = vector.load %arg0[%get3A_6, %get3A_7] : memref<10240x128xf32, #tpu.memory_space<vmem>>, vector<10240x128xf32>
    %add3A = arith.constant 1.000000e-16 : f32
    %add3A_9 = vector.broadcast %add3A : f32 to vector<10240x128xf32>
    %add3A_10 = arith.addf %dot_general3A_5, %add3A_9 : vector<10240x128xf32>
    %div3A = arith.divf %get3A_8, %add3A_10 : vector<10240x128xf32>
    %get3A_11 = arith.constant 0 : index
    %get3A_12 = arith.constant 0 : index
    %get3A_13 = vector.load %arg3[%get3A_11, %get3A_12] : memref<10240x128xf32, #tpu.memory_space<vmem>>, vector<10240x128xf32>
    %add3A_14 = arith.addf %div3A, %get3A_13 : vector<10240x128xf32>
    %ge3A = arith.constant 0.000000e+00 : f32
    %ge3A_15 = vector.broadcast %ge3A : f32 to vector<10240x128xf32>
    %ge3A_16 = arith.cmpf oge, %add3A_14, %ge3A_15 : vector<10240x128xf32>
    %mul3A = arith.constant 2.000000e-01 : f32
    %mul3A_17 = vector.broadcast %mul3A : f32 to vector<10240x128xf32>
    %mul3A_18 = arith.mulf %mul3A_17, %add3A_14 : vector<10240x128xf32>
    %select_n3A = arith.select %ge3A_16, %add3A_14, %mul3A_18 : vector<10240x128xi1>, vector<10240x128xf32>
    %swap3A = arith.constant 0 : index
    %swap3A_19 = arith.constant 0 : index
    %swap3A_20 = vector.load %arg4[%swap3A, %swap3A_19] : memref<10240x128xf32, #tpu.memory_space<vmem>>, vector<10240x128xf32>
    tpu.vector_store %arg4[%swap3A, %swap3A_19], %select_n3A {strides = array<i32>} : memref<10240x128xf32, #tpu.memory_space<vmem>>, vector<10240x128xf32>,
    return
  }
}

</mosaic_0001>

<sc_bundles>
// kernel: gather_offload_async_start.1
scs
__scs_entry_jumppad:
0x0: {  	(pc) =	sbr.rel $0x88, $3  }
0x1: {  	(tag) =	ssettag $0x0;
	lr =	simm.s32 $0x1  }
0x2: {  	[smem:$0x3F91] =	sst lr;
	_ =	strace $0xD0000000  }
0x3: {  	_ = 	snop  }
0x4: {  	_ = 	snop  }
0x5: {  	_ = 	snop  }
0x6: {  	_ = 	snop  }
0x7: {  	_ = 	snop  }
__scs_overlays_trampoline_lowered:
0x8: {  	[smem:$0x3FA0] =	sst s0  }
0x9: {  	[smem:$0x3FA1] =	sst s1  }
0xa: {  	[smem:$0x3FA2] =	sst s2  }
0xb: {  	[smem:$0x3FA3] =	sst s3  }
0xc: {  	[smem:$0x3FA4] =	sst s4  }
0xd: {  	[smem:$0x3FA5] =	sst s5  }
0xe: {  	[smem:$0x3FA6] =	sst s6  }
0xf: {  	[smem:$0x3FA7] =	sst s7  }
0x10: {  	[smem:$0x3FA8] =	sst s8  }
0x11: {  	[smem:$0x3FA9] =	sst s9;
	s0 =	simm.s32 @!p0 $0x0  }
0x12: {  	s1 =	sld [smem:$0x3F8F];
	s0 =	simm.s32 @p0 $0x1  }
0x13: {  	[smem:$0x3FAA] =	sst s0;
	s0 =	simm.s32 @!p1 $0x0  }
0x14: {  	s2 =	sld [smem:$0x3F8E];
	s0 =	simm.s32 @p1 $0x1  }
0x15: {  	[smem:$0x3FAB] =	sst s0;
	s0 =	simm.s32 @!p2 $0x0  }
0x16: {  	s3 =	sld [smem:$0x3FDB];
	s0 =	simm.s32 @p2 $0x1  }
0x17: {  	s4 =	simm.s32 $0x1BF5;
	[smem:$0x3FAD] =	sst s0  }
0x18: {  	s0 =	sld [smem:$0x3F90];
	_ =	swait.ge [sflag:s4], $0x0  }
0x19: {  	s7 =	sld [smem:$0x3F91]  }
0x1a: {  	s8 =	sadd.s32 $0xFFFFE003, lr  }
0x1b: {  	s9 =	sadd.s32 $0xFFFFFEF7, lr;
	s5 =	simm.s32 $0xFFFFFFFF;
	p2 =	slt.u32 s8, $0xFFFFF086  }
0x1c: {  	p1 =	slt.u32 s9, $0xF7A;
	s5 =	simm.s32 @!p2 $0x0  }
0x1d: {  	s5 =	simm.s32 @p1 $0x1;
	p0 =	seq.s32 s7, s2  }
0x1e: {  	s7 =	smul.u32 @!p0 $0xF7A, s2;
	p2 =	seq.s32 @!p0 s5, $0x0  }
0x1f: {  	s9 =	smul.u32 $0xF7A, s1;
	s8 =	simm.s32 @!p0 $0x1BF5;
	p2 =	por !p2, p0  }
0x20: {  	[sflag:s8] =	ssyncset.s32 @!p0 $0xFFFFF086;
	s6 =	sadd.s32 @!p0 s3, s7;
	s7 =	simm.s32 @!p0 $0x108  }
0x21: {  	s3 =	sadd.s32 s3, s9;
	s6 =	sadd.s32 @!p0 $0x88, s6;
	s7 =	simm.s32 @p2 $0x1082  }
0x22: {  	[simem:s7], [sflag:s8] =	dma.local @!p0 [hbm:s6], $0xF7A  }
0x23: {  	s9 =	sor.u32 $0xD0000000, s2;
	s6 =	simm.s32 $0x108;
	_ =	swait.ge @!p0 [sflag:s8], $0x0  }
0x24: {  	s3 =	sadd.s32 $0x88, s3;
	s6 =	simm.s32 @!p1 $0x1082;
	[sflag:s4] =	ssyncset.s32 $0xFFFFF086  }
0x25: {  	[simem:s6], [sflag:s4] =	dma.local [hbm:s3], $0xF7A  }
0x26: {  	[smem:$0x3F91] =	sst s1;
	(tag) =	ssettag s2;
	_ =	strace s9  }
0x27: {  	s1 =	sld [smem:$0x3FA1]  }
0x28: {  	s2 =	sld [smem:$0x3FA2]  }
0x29: {  	s4 =	sld [smem:$0x3FA4]  }
0x2a: {  	p0 =	seq.s32 s5, $0x0;
	s5 =	sld [smem:$0x3FA5]  }
0x2b: {  	s6 =	sld [smem:$0x3FA6]  }
0x2c: {  	s7 =	sld [smem:$0x3FA7]  }
0x2d: {  	s3 =	simm.s32 $0x108;
	s8 =	sld [smem:$0x3FA8]  }
0x2e: {  	s3 =	simm.s32 @!p0 $0x1082;
	s9 =	sld [smem:$0x3FA9]  }
0x2f: {  	lr =	sadd.s32 s0, s3;
	s0 =	sld [smem:$0x3FA0]  }
0x30: {  	s3 =	sld [smem:$0x3FA3]  }
0x31: {  	[smem:$0x3FAC] =	sst s10  }
0x32: {  	s10 =	sld [smem:$0x3FAA];
	_ =	sdelay $0x3  }
0x33: {  	p0 =	seq.s32 s10, $0x1;
	s10 =	sld [smem:$0x3FAC];
	_ =	sdelay $0x3  }
0x34: {  	[smem:$0x3FAC] =	sst s10  }
0x35: {  	s10 =	sld [smem:$0x3FAB];
	_ =	sdelay $0x3  }
0x36: {  	p1 =	seq.s32 s10, $0x1;
	s10 =	sld [smem:$0x3FAC];
	_ =	sdelay $0x3  }
0x37: {  	[smem:$0x3FAC] =	sst s10  }
0x38: {  	s10 =	sld [smem:$0x3FAD]  }
0x39: {  	_ = 	snop;
	(pc) =	sbr.ind lr, $3  }
0x3a: {  	_ = 	snop  }
0x3b: {  	_ = 	snop  }
0x3c: {  	p2 =	seq.s32 s10, $0x1;
	s10 =	sld [smem:$0x3FAC]  }
0x3d: {  	_ =	shalt  }
0x3e: {  	_ =	shalt  }
0x3f: {  	_ =	shalt  }
0x40: {  	_ =	shalt  }
0x41: {  	_ =	shalt  }
0x42: {  	_ =	shalt  }
0x43: {  	_ =	shalt  }
0x44: {  	_ =	shalt  }
0x45: {  	_ =	shalt  }
0x46: {  	_ =	shalt  }
0x47: {  	_ =	shalt  }
0x48: {  	_ =	shalt  }
0x49: {  	_ =	shalt  }
0x4a: {  	_ =	shalt  }
0x4b: {  	_ =	shalt  }
0x4c: {  	_ =	shalt  }
0x4d: {  	_ =	shalt  }
0x4e: {  	_ =	shalt  }
0x4f: {  	_ =	shalt  }
0x50: {  	_ =	shalt  }
0x51: {  	_ =	shalt  }
0x52: {  	_ =	shalt  }
0x53: {  	_ =	shalt  }
0x54: {  	_ =	shalt  }
0x55: {  	_ =	shalt  }
0x56: {  	_ =	shalt  }
0x57: {  	_ =	shalt  }
0x58: {  	_ =	shalt  }
0x59: {  	_ =	shalt  }
0x5a: {  	_ =	shalt  }
0x5b: {  	_ =	shalt  }
0x5c: {  	_ =	shalt  }
0x5d: {  	_ =	shalt  }
0x5e: {  	_ =	shalt  }
0x5f: {  	_ =	shalt  }
0x60: {  	_ =	shalt  }
0x61: {  	_ =	shalt  }
0x62: {  	_ =	shalt  }
0x63: {  	_ =	shalt  }
0x64: {  	_ =	shalt  }
0x65: {  	_ =	shalt  }
0x66: {  	_ =	shalt  }
0x67: {  	_ =	shalt  }
0x68: {  	_ =	shalt  }
0x69: {  	_ =	shalt  }
0x6a: {  	_ =	shalt  }
0x6b: {  	_ =	shalt  }
0x6c: {  	_ =	shalt  }
0x6d: {  	_ =	shalt  }
0x6e: {  	_ =	shalt  }
0x6f: {  	_ =	shalt  }
0x70: {  	_ =	shalt  }
0x71: {  	_ =	shalt  }
0x72: {  	_ =	shalt  }
0x73: {  	_ =	shalt  }
0x74: {  	_ =	shalt  }
0x75: {  	_ =	shalt  }
0x76: {  	_ =	shalt  }
0x77: {  	_ =	shalt  }
0x78: {  	_ =	shalt  }
0x79: {  	_ =	shalt  }
0x7a: {  	_ =	shalt  }
0x7b: {  	_ =	shalt  }
0x7c: {  	_ =	shalt  }
0x7d: {  	_ =	shalt  }
0x7e: {  	_ =	shalt  }
0x7f: {  	_ =	shalt  }
0x80: {  	_ =	shalt  }
0x81: {  	_ =	shalt  }
0x82: {  	_ =	shalt  }
0x83: {  	_ =	shalt  }
0x84: {  	_ =	shalt  }
0x85: {  	_ =	shalt  }
0x86: {  	_ =	shalt  }
0x87: {  	_ =	shalt  }
.Lfunc_end0:
.L_simem_size_0:
called_computation.1_lowered:
.L_overlay_start_0:
0x88: {  	s0 =	sld [smem:$0x3FD9]  }
0x89: {  	s1 =	sld [smem:$0x3FFE];
	_ =	sdelay $0x3  }
0x8a: {  	s0 =	sadd.s32 s1, s0  }
0x8b: {  	[smem:$0x3FB8] =	sst s0  }
0x8c: {  	_ = 	snop  }
0x8d: {  	(tm) =	ssettm $0x1  }
0x8e: {  	s15 =	sld [smem:$0x3FFB];
	_ =	sdelay $0x3  }
0x8f: {  	_ =	strace s15  }
0x90: {  	s0 =	sld [smem:$0x3FFC];
	_ =	sdelay $0x3  }
0x91: {  	_ =	strace s0  }
0x92: {  	s0 =	sld [smem:$0x3FFD];
	_ =	sdelay $0x3  }
0x93: {  	_ =	strace s0  }
0x94: {  	_ =	strace $0x8FFFFFFF  }
0x95: {  	s16 =	sld [smem:$0x3FDB];
	_ =	sdelay $0x1  }
0x96: {  	s17 =	simm.s32 $_scs_section_size  }
0x97: {  	s2 =	simm.s32 $_size__tile_overlayer_lowered;
	s3 =	simm.s32 $_tile_overlayer_lowered  }
0x98: {  	s20 =	simm.s32 $0x1BFF;
	s19 =	sshll.u32 s3, $0x1;
	s0 =	sadd.s32 s17, s16  }
0x99: {  	s4 =	simm.s32 $0x0;
	s18 =	sshll.u32 s2, $0x1;
	s2 =	sadd.s32 s19, s0  }
0x9a: {  	[timem:s4], [sflag:s20] =	dma.local [hbm:s2], s18  }
0x9b: {  	_ =	swait.ge [sflag:s20], s18  }
0x9c: {  	s1 =	ssub.s32 $0x0, s18;
	[sflag:s20] =	ssyncset.done $0x0  }
0x9d: {  	[sflag:s20] =	ssyncadd.s32 s1;
	_ =	sdelay $0x1  }
0x9e: {  	s21 =	simm.s32 $0x1B8B  }
0x9f: {  	_ =	swait.ge [sflag:s21], $0x1  }
0xa0: {  	[sflag:s21] =	ssyncset.done $0x0  }
0xa1: {  	s23 =	simm.s32 $0x1B8E;
	s22 =	sld [smem:$0x3FFE];
	[sflag:s21] =	ssyncadd.s32 $0xFFFFFFFF  }
0xa2: {  	s24 =	simm.s32 $execute0_lowered;
	[smem:$0x3FD2] =	sst s23  }
0xa3: {  	s2 =	sshll.u32 s24, $0x1;
	_ =	strace $0x80000046;
	[dreg:$0x1] =	wrdreg $0xFFFFFFFF  }
0xa4: {  	s25 =	simm.s32 $_size_execute0_lowered;
	s0 =	sadd.s32 s0, s2;
	[dreg:$0x0] =	wrdreg $0x0  }
0xa5: {  	s2 =	sshll.u32 s25, $0x1;
	[dreg:$0x2] =	wrdreg s0  }
0xa6: {  	[dreg:$0x3] =	wrdreg s2  }
0xa7: {  	[dreg:$0x4] =	wrdreg $0xC0  }
0xa8: {  	_ =	task [dreg:s4], $0x5FFFF  }
0xa9: {  	[dreg:$0x1] =	wrdreg $0xFFFFFFFF  }
0xaa: {  	[dreg:$0x0] =	wrdreg $0x60  }
0xab: {  	[dreg:$0x2] =	wrdreg s22  }
0xac: {  	[dreg:$0x3] =	wrdreg $0x9  }
0xad: {  	_ =	task.clear_ibuf [dreg:s4], $0x4FFFF;
	_ =	strace $0x90000046  }
0xae: {  	s26 =	simm.s32 $0x9;
	_ =	strace $0x80000048  }
0xaf: {  	_ =	swait.ge [sflag:s26], $0x1  }
0xb0: {  	[sflag:s26] =	ssyncadd.s32 $0xFFFFFFFF  }
0xb1: {  	_ =	strace $0x90000048  }
0xb2: {  	_ =	sfence  }
0xb3: {  	s28 =	sld [smem:$0x0];
	_ =	sdelay $0x1  }
0xb4: {  	s29 =	srdreg.scid  }
0xb5: {  	s30 =	sshll.u32 s29, $0xD;
	s31 =	sshrl.u32 s29, $0x2  }
0xb6: {  	s1 =	sand.u32 $0x1, s29;
	s2 =	sand.u32 $0x4000, s30;
	s0 =	sadd.s32 s31, s28  }
0xb7: {  	s1 =	sor.u32 s2, s1;
	s0 =	sshll.u32 s0, $0x11  }
0xb8: {  	s0 =	sor.u32 s0, s1  }
0xb9: {  	s0 =	sadd.s32 $0x8F2B, s0  }
0xba: {  	[sflag:s0] =	ssyncadd.remote.s32 $0x1  }
0xbb: {  	_ =	sfence.sel $0xFFFF  }
0xbc: {  	[dreg:$0x0] =	wrdreg $0xFFFFFFFF;
	(pc) =	sbr.abs _section_cstart, $3  }
0xbd: {  	[dreg:$0x1] =	wrdreg $0xFFFFFFFF  }
0xbe: {  	_ =	task.clear_ibuf [dreg:s4], $0x2FFFF;
	_ =	strace $0x9FFFFFFF  }
0xbf: {  	(tm) =	ssettm $0x7FFFFFFF  }
tec
execute0_lowered:
.L_overlay_start_1:
0x0: {  	(tag) =	ssettag $0x1  }
0x1: {  	s8 =	rddreg [dreg:$0x0]  }
0x2: {  	s0 =	rddreg [dreg:$0x1];
	_ =	strace $0x80000047  }
0x3: {  	s4 =	simm.s32 $0x1;
	s1 =	stileid.u32;
	s7 =	simm.s32 $0x1  }
0x4: {  	s9 =	simm.s32 $0x1;
	s6 =	simm.s32 $0x2;
	s10 =	simm.s32 $0x3  }
0x5: {  	s13 =	simm.s32 $0x0;
	s12 =	simm.s32 $0x0;
	s2 =	sadd.s32 $0x2A00, s8  }
.Ltmp0:
0x6: {  	s3 =	sadd.s32 $0xCC00, s8;
	p0 =	slt.u32 s1, $0xA;
	(pc) =	sbr.rel .LBB2_1-.Ltmp0, $4  }
0x7: {  	[sflag:s4] =	ssyncpa.u1 $0x0;
	s7 =	simm.s32 @!p0 $0x0;
	p0 =	sne.s32 s1, $0x9  }
0x8: {  	s5 =	smul.u32 $0x3390, s1;
	[sflag:s6] =	ssyncpa.u1 $0x0;
	s9 =	simm.s32 @!p0 $0x0  }
0x9: {  	s8 =	sadd.s32 $0x44000, s8;
	[sflag:s10] =	ssyncpa.u1 $0x0;
	s7 =	sadd.s32 s9, s7  }
0xa: {  	vm0 =	vmmov $0xffff;
	s10 =	simm.s32 $0x0;
	s11 =	smov.u32 s5;
	s9 =	sadd.s32 $0x1, s7  }
.LBB2_4:
0xb: {  	v2 =	vnsel vm1, $0x0, v2  }
0xc: {  	vm1 =	vgt.s32 v0, $0x0;
	v2 =	vmin.u32 v2, $0x5090F  }
0xd: {  	v0 =	vnsel vm1, $0x0, v0  }
0xe: {  	v0 =	vmin.u32 v0, $0x5090F  }
0xf: {  	[tilespmem:s18], [sflag:$0x1] =	stream.indirect_vreg.gather [hbm4b:s2+s10], $0x1, v1, vm0, $0x4038;
	[tilespmem:$0xCE40] =	vst v63  }
0x10: {  	(ifvalue) =	ssetifvalue $0x7FFFFFFF  }
0x11: {  	[tilespmem:s15], [sflag:$0x1] =	stream.indirect_vreg.gather [hbm4b:s2+s10], $0x1, v2, vm0, $0x4038;
	[tilespmem:$0xCE40] =	vst v63  }
0x12: {  	s29 =	sadd.s32 $0x10, s15;
	(ifvalue) =	ssetifvalue $0x7FFFFFFF  }
0x13: {  	[tilespmem:s29], [sflag:$0x1] =	stream.indirect_vreg.gather [hbm4b:s2+s10], $0x1, v0, vm0, $0x4038;
	[tilespmem:$0xCE40] =	vst v63  }
0x14: {  	_ =	swait.ge [sflag:s4], $0x3390  }
0x15: {  	s30 =	sshrl.u32 s13, $0x3;
	[sflag:s4] =	ssyncset.done $0x0  }
0x16: {  	s31 =	sand.u32 $0x7, s13;
	s15 =	sadd.s32 s8, s30;
	[sflag:s4] =	ssyncadd.s32 $0xFFFFCC70  }
0x17: {  	[hbm4b:s15+s31] =	stream.linear.scatter [tilespmem:s14], [sflag:$0x3], $0x3390, $0x38;
	[tilespmem:$0xCE40] =	vst v63  }
.LBB2_5:
0x18: {  	s15 =	sadd.s32 $0x33900, s11  }
0x19: {  	p1 =	sgt.s32 s15, $0x5090F  }
0x1a: {  	s15 =	smov.u32 @p1 s5;
	p1 =	sne.s32 s12, s9  }
.Ltmp1:
0x1b: {  	p0 =	slt.u32 s12, $0x2;
	(pc) =	sbr.rel @!p1 .LBB2_6-.Ltmp1, $4  }
0x1c: {  	s14 =	simm.s32 @!p0 $0x3  }
0x1d: {  	_ =	swait.ge @!p0 [sflag:s14], $0x3390  }
0x1e: {  	s16 =	sadd.s32 $0x1, s12;
	s13 =	smov.u32 s11;
	[sflag:s14] =	ssyncset.done @!p0 $0x0  }
0x1f: {  	s12 =	smov.u32 s16;
	s11 =	smov.u32 s15;
	[sflag:s14] =	ssyncadd.s32 @!p0 $0xFFFFCC70  }
.LBB2_1:
0x20: {  	p0 =	sge.u32 s12, s7  }
0x21: {  	s14 =	sxor.u32 @!p0 $0x1, s12  }
0x22: {  	s14 =	smul.u32 @!p0 $0xCE40, s14  }
0x23: {  	s31 =	sadd.s32 $0xFFFFFFFF, s12;
	s15 =	sshrl.u32 @!p0 s11, $0x3  }
0x24: {  	s16 =	sand.u32 @!p0 $0x7, s11;
	s15 =	sadd.s32 @!p0 s3, s15;
	s14 =	sshra.s32 @!p0 s14, $0x2  }
0x25: {  	[tilespmem:s14], [sflag:$0x2] =	stream.linear.gather @!p0 [hbm4b:s15+s16], $0x3390, $0x38;
	[tilespmem:$0xCE40] =	vst v63  }
0x26: {  	p0 =	sge.u32 s31, s7  }
.Ltmp2:
0x27: {  	_ = 	snop;
	(pc) =	sbr.rel @p0 .LBB2_5-.Ltmp2, $1  }
0x28: {  	_ =	sdelay $0x3  }
0x29: {  	s14 =	sand.u32 $0x1, s12  }
0x2a: {  	_ =	swait.ge [sflag:s6], $0x3390;
	p0 =	seq.s32 s14, $0x1;
	s14 =	simm.s32 $0x3390  }
0x2b: {  	[sflag:s6] =	ssyncset.done $0x0;
	s14 =	simm.s32 @!p0 $0x0  }
0x2c: {  	[sflag:s6] =	ssyncadd.s32 $0xFFFFCC70;
	(ifvalue) =	ssetifvalue $0x7FFFFFFF;
	v0 =	vld.msk [tilespmem:s14+$0x0 ss:$0x1], $0xffff;
	_ =	sdelay $0x4  }
0x2d: {  	s15 =	sadd.s32 $0x10, s14;
	vm1 =	vgt.s32 v0, $0x0  }
0x2e: {  	v2 =	vld.msk [tilespmem:s15+$0x0 ss:$0x1], $0xffff;
	v1 =	vnsel vm1, $0x0, v0  }
0x2f: {  	v1 =	vmin.u32 v1, $0x5090F;
	_ =	sdelay $0x2  }
0x30: {  	s17 =	simm.s32 $0x20;
	s14 =	sadd.s32 $0x6720, s14;
	s16 =	sadd.s32 $0x10, s15  }
0x31: {  	s15 =	sadd.s32 $0x10, s14;
	s18 =	smov.u32 s14;
	v0 =	vld.msk [tilespmem:s16+$0x0 ss:$0x1], $0xffff;
	vm1 =	vgt.s32 v2, $0x0;
	(ifvalue) =	ssetifvalue $0x7FFFFFFF  }
.LBB2_3:
0x32: {  	[tilespmem:s18], [sflag:$0x1] =	stream.indirect_vreg.gather [hbm4b:s2+s10], $0x1, v1, vm0, $0x4038;
	[tilespmem:$0xCE40] =	vst v63  }
0x33: {  	s17 =	sadd.s32 $0x10, s17  }
0x34: {  	v2 =	vnsel vm1, $0x0, v2;
	p0 =	slt.u32 s17, $0x3380  }
.Ltmp3:
0x35: {  	s18 =	smov.u32 s15;
	v1 =	vmin.u32 v2, $0x5090F;
	(pc) =	sbr.rel @p0 .LBB2_3-.Ltmp3, $3  }
0x36: {  	_ =	sdelay $0x1  }
0x37: {  	s16 =	sadd.s32 $0x10, s16  }
0x38: {  	vm1 =	vgt.s32 v0, $0x0;
	s15 =	sadd.s32 $0x10, s15;
	v2 =	vmov v0;
	(ifvalue) =	ssetifvalue $0x7FFFFFFF;
	v0 =	vld.msk [tilespmem:s16+$0x0 ss:$0x1], $0xffff  }
.Ltmp4:
0x39: {  	_ = 	snop;
	(pc) =	sbr.rel .LBB2_4-.Ltmp4, $1  }
0x3a: {  	_ =	sdelay $0x3  }
.LBB2_6:
0x3b: {  	_ =	sfence.sel $0x180000  }
0x3c: {  	s2 =	simm.s32 $0x2;
	[bflag:$0x0] =	sbarrier.arrive $0xFFFF  }
0x3d: {  	s30 =	simm.s32 $0x3;
	[sflag:s2] =	ssyncpa.u1 $0x1  }
0x3e: {  	s31 =	simm.s32 $0x1;
	[sflag:s30] =	ssyncpa.u1 $0x1  }
0x3f: {  	[sflag:s31] =	ssyncpa.u1 $0x1  }
0x40: {  	p0 =	sne.s32 s1, $0x0;
	_ =	strace $0x90000047  }
0x41: {  	s0 =	sadd.s32 @!p0 $0x100000, s0;
	[bflag:$0x2] =	sbarrier.arrive $0xFFFF  }
0x42: {  	[sflag:s0] =	ssyncadd.tile.s32 @!p0 $0x1;
	_ =	shalt  }
.Lfunc_end2:
_tile_overlayer_lowered:
.L_overlay_start_2:
0x43: {  	(tag) =	ssettag $0x2  }
0x44: {  	s0 =	rddreg [dreg:$0x0];
	s2 =	stileid.u32  }
0x45: {  	s1 =	rddreg [dreg:$0x1];
	p0 =	sne.s32 s2, $0x0  }
0x46: {  	s3 =	rddreg [dreg:$0x2];
	[bflag:$0x3] =	sbarrier.arrive $0xFFFF;
	s2 =	simm.s32 @!p0 $0x1C01  }
0x47: {  	[timem:s3], [sflag:s2] =	dma.local @!p0 [hbm:s0], s1  }
0x48: {  	s0 =	simm.s32 @!p0 $0x1  }
0x49: {  	_ =	swait.ge @!p0 [sflag:s0], s1  }
0x4a: {  	s1 =	ssub.s32 @!p0 $0x0, s1;
	[sflag:s0] =	ssyncset.done @!p0 $0x0  }
0x4b: {  	[sflag:s0] =	ssyncadd.s32 @!p0 s1  }
0x4c: {  	[bflag:$0x3] =	sbarrier.arrive $0xFFFF  }
0x4d: {  	_ =	shalt  }

// kernel: gather_offload_async_start
scs
__scs_entry_jumppad:
0x0: {  	(pc) =	sbr.rel $0x88, $3  }
0x1: {  	(tag) =	ssettag $0x0;
	lr =	simm.s32 $0x1  }
0x2: {  	[smem:$0x3F91] =	sst lr;
	_ =	strace $0xD0000000  }
0x3: {  	_ = 	snop  }
0x4: {  	_ = 	snop  }
0x5: {  	_ = 	snop  }
0x6: {  	_ = 	snop  }
0x7: {  	_ = 	snop  }
__scs_overlays_trampoline_lowered:
0x8: {  	[smem:$0x3FA0] =	sst s0  }
0x9: {  	[smem:$0x3FA1] =	sst s1  }
0xa: {  	[smem:$0x3FA2] =	sst s2  }
0xb: {  	[smem:$0x3FA3] =	sst s3  }
0xc: {  	[smem:$0x3FA4] =	sst s4  }
0xd: {  	[smem:$0x3FA5] =	sst s5  }
0xe: {  	[smem:$0x3FA6] =	sst s6  }
0xf: {  	[smem:$0x3FA7] =	sst s7  }
0x10: {  	[smem:$0x3FA8] =	sst s8  }
0x11: {  	[smem:$0x3FA9] =	sst s9;
	s0 =	simm.s32 @!p0 $0x0  }
0x12: {  	s1 =	sld [smem:$0x3F8F];
	s0 =	simm.s32 @p0 $0x1  }
0x13: {  	[smem:$0x3FAA] =	sst s0;
	s0 =	simm.s32 @!p1 $0x0  }
0x14: {  	s2 =	sld [smem:$0x3F8E];
	s0 =	simm.s32 @p1 $0x1  }
0x15: {  	[smem:$0x3FAB] =	sst s0;
	s0 =	simm.s32 @!p2 $0x0  }
0x16: {  	s3 =	sld [smem:$0x3FDB];
	s0 =	simm.s32 @p2 $0x1  }
0x17: {  	s4 =	simm.s32 $0x1BF5;
	[smem:$0x3FAD] =	sst s0  }
0x18: {  	s0 =	sld [smem:$0x3F90];
	_ =	swait.ge [sflag:s4], $0x0  }
0x19: {  	s7 =	sld [smem:$0x3F91]  }
0x1a: {  	s8 =	sadd.s32 $0xFFFFE003, lr  }
0x1b: {  	s9 =	sadd.s32 $0xFFFFFEF7, lr;
	s5 =	simm.s32 $0xFFFFFFFF;
	p2 =	slt.u32 s8, $0xFFFFF086  }
0x1c: {  	p1 =	slt.u32 s9, $0xF7A;
	s5 =	simm.s32 @!p2 $0x0  }
0x1d: {  	s5 =	simm.s32 @p1 $0x1;
	p0 =	seq.s32 s7, s2  }
0x1e: {  	s7 =	smul.u32 @!p0 $0xF7A, s2;
	p2 =	seq.s32 @!p0 s5, $0x0  }
0x1f: {  	s9 =	smul.u32 $0xF7A, s1;
	s8 =	simm.s32 @!p0 $0x1BF5;
	p2 =	por !p2, p0  }
0x20: {  	[sflag:s8] =	ssyncset.s32 @!p0 $0xFFFFF086;
	s6 =	sadd.s32 @!p0 s3, s7;
	s7 =	simm.s32 @!p0 $0x108  }
0x21: {  	s3 =	sadd.s32 s3, s9;
	s6 =	sadd.s32 @!p0 $0x88, s6;
	s7 =	simm.s32 @p2 $0x1082  }
0x22: {  	[simem:s7], [sflag:s8] =	dma.local @!p0 [hbm:s6], $0xF7A  }
0x23: {  	s9 =	sor.u32 $0xD0000000, s2;
	s6 =	simm.s32 $0x108;
	_ =	swait.ge @!p0 [sflag:s8], $0x0  }
0x24: {  	s3 =	sadd.s32 $0x88, s3;
	s6 =	simm.s32 @!p1 $0x1082;
	[sflag:s4] =	ssyncset.s32 $0xFFFFF086  }
0x25: {  	[simem:s6], [sflag:s4] =	dma.local [hbm:s3], $0xF7A  }
0x26: {  	[smem:$0x3F91] =	sst s1;
	(tag) =	ssettag s2;
	_ =	strace s9  }
0x27: {  	s1 =	sld [smem:$0x3FA1]  }
0x28: {  	s2 =	sld [smem:$0x3FA2]  }
0x29: {  	s4 =	sld [smem:$0x3FA4]  }
0x2a: {  	p0 =	seq.s32 s5, $0x0;
	s5 =	sld [smem:$0x3FA5]  }
0x2b: {  	s6 =	sld [smem:$0x3FA6]  }
0x2c: {  	s7 =	sld [smem:$0x3FA7]  }
0x2d: {  	s3 =	simm.s32 $0x108;
	s8 =	sld [smem:$0x3FA8]  }
0x2e: {  	s3 =	simm.s32 @!p0 $0x1082;
	s9 =	sld [smem:$0x3FA9]  }
0x2f: {  	lr =	sadd.s32 s0, s3;
	s0 =	sld [smem:$0x3FA0]  }
0x30: {  	s3 =	sld [smem:$0x3FA3]  }
0x31: {  	[smem:$0x3FAC] =	sst s10  }
0x32: {  	s10 =	sld [smem:$0x3FAA];
	_ =	sdelay $0x3  }
0x33: {  	p0 =	seq.s32 s10, $0x1;
	s10 =	sld [smem:$0x3FAC];
	_ =	sdelay $0x3  }
0x34: {  	[smem:$0x3FAC] =	sst s10  }
0x35: {  	s10 =	sld [smem:$0x3FAB];
	_ =	sdelay $0x3  }
0x36: {  	p1 =	seq.s32 s10, $0x1;
	s10 =	sld [smem:$0x3FAC];
	_ =	sdelay $0x3  }
0x37: {  	[smem:$0x3FAC] =	sst s10  }
0x38: {  	s10 =	sld [smem:$0x3FAD]  }
0x39: {  	_ = 	snop;
	(pc) =	sbr.ind lr, $3  }
0x3a: {  	_ = 	snop  }
0x3b: {  	_ = 	snop  }
0x3c: {  	p2 =	seq.s32 s10, $0x1;
	s10 =	sld [smem:$0x3FAC]  }
0x3d: {  	_ =	shalt  }
0x3e: {  	_ =	shalt  }
0x3f: {  	_ =	shalt  }
0x40: {  	_ =	shalt  }
0x41: {  	_ =	shalt  }
0x42: {  	_ =	shalt  }
0x43: {  	_ =	shalt  }
0x44: {  	_ =	shalt  }
0x45: {  	_ =	shalt  }
0x46: {  	_ =	shalt  }
0x47: {  	_ =	shalt  }
0x48: {  	_ =	shalt  }
0x49: {  	_ =	shalt  }
0x4a: {  	_ =	shalt  }
0x4b: {  	_ =	shalt  }
0x4c: {  	_ =	shalt  }
0x4d: {  	_ =	shalt  }
0x4e: {  	_ =	shalt  }
0x4f: {  	_ =	shalt  }
0x50: {  	_ =	shalt  }
0x51: {  	_ =	shalt  }
0x52: {  	_ =	shalt  }
0x53: {  	_ =	shalt  }
0x54: {  	_ =	shalt  }
0x55: {  	_ =	shalt  }
0x56: {  	_ =	shalt  }
0x57: {  	_ =	shalt  }
0x58: {  	_ =	shalt  }
0x59: {  	_ =	shalt  }
0x5a: {  	_ =	shalt  }
0x5b: {  	_ =	shalt  }
0x5c: {  	_ =	shalt  }
0x5d: {  	_ =	shalt  }
0x5e: {  	_ =	shalt  }
0x5f: {  	_ =	shalt  }
0x60: {  	_ =	shalt  }
0x61: {  	_ =	shalt  }
0x62: {  	_ =	shalt  }
0x63: {  	_ =	shalt  }
0x64: {  	_ =	shalt  }
0x65: {  	_ =	shalt  }
0x66: {  	_ =	shalt  }
0x67: {  	_ =	shalt  }
0x68: {  	_ =	shalt  }
0x69: {  	_ =	shalt  }
0x6a: {  	_ =	shalt  }
0x6b: {  	_ =	shalt  }
0x6c: {  	_ =	shalt  }
0x6d: {  	_ =	shalt  }
0x6e: {  	_ =	shalt  }
0x6f: {  	_ =	shalt  }
0x70: {  	_ =	shalt  }
0x71: {  	_ =	shalt  }
0x72: {  	_ =	shalt  }
0x73: {  	_ =	shalt  }
0x74: {  	_ =	shalt  }
0x75: {  	_ =	shalt  }
0x76: {  	_ =	shalt  }
0x77: {  	_ =	shalt  }
0x78: {  	_ =	shalt  }
0x79: {  	_ =	shalt  }
0x7a: {  	_ =	shalt  }
0x7b: {  	_ =	shalt  }
0x7c: {  	_ =	shalt  }
0x7d: {  	_ =	shalt  }
0x7e: {  	_ =	shalt  }
0x7f: {  	_ =	shalt  }
0x80: {  	_ =	shalt  }
0x81: {  	_ =	shalt  }
0x82: {  	_ =	shalt  }
0x83: {  	_ =	shalt  }
0x84: {  	_ =	shalt  }
0x85: {  	_ =	shalt  }
0x86: {  	_ =	shalt  }
0x87: {  	_ =	shalt  }
.Lfunc_end0:
.L_simem_size_0:
called_computation_lowered:
.L_overlay_start_0:
0x88: {  	s0 =	sld [smem:$0x3FD9]  }
0x89: {  	s1 =	sld [smem:$0x3FFE];
	_ =	sdelay $0x3  }
0x8a: {  	s0 =	sadd.s32 s1, s0  }
0x8b: {  	[smem:$0x3FB8] =	sst s0  }
0x8c: {  	_ = 	snop  }
0x8d: {  	s0 =	sld [smem:$0x3FD0];
	(tm) =	ssettm $0x1  }
0x8e: {  	s16 =	sld [smem:$0x3FFB];
	_ =	sdelay $0x3  }
0x8f: {  	_ =	strace s16  }
0x90: {  	s1 =	sld [smem:$0x3FFC];
	_ =	sdelay $0x3  }
0x91: {  	_ =	strace s1  }
0x92: {  	s1 =	sld [smem:$0x3FFD];
	_ =	sdelay $0x3  }
0x93: {  	_ =	strace s1  }
0x94: {  	_ =	strace $0x8FFFFFFF  }
0x95: {  	s17 =	sld [smem:$0x3FDB];
	_ =	sdelay $0x1  }
0x96: {  	s2 =	simm.s32 $_scs_section_size  }
0x97: {  	s3 =	simm.s32 $_size__tile_overlayer_lowered;
	s4 =	simm.s32 $_tile_overlayer_lowered  }
0x98: {  	s20 =	simm.s32 $0x1BFF;
	s19 =	sshll.u32 s4, $0x1;
	s1 =	sadd.s32 s2, s17  }
0x99: {  	s5 =	simm.s32 $0x0;
	s18 =	sshll.u32 s3, $0x1;
	s3 =	sadd.s32 s19, s1  }
0x9a: {  	[timem:s5], [sflag:s20] =	dma.local [hbm:s3], s18  }
0x9b: {  	_ =	swait.ge [sflag:s20], s18  }
0x9c: {  	s2 =	ssub.s32 $0x0, s18;
	[sflag:s20] =	ssyncset.done $0x0  }
0x9d: {  	[sflag:s20] =	ssyncadd.s32 s2;
	_ =	sdelay $0x1  }
0x9e: {  	s21 =	simm.s32 $0x1B8B  }
0x9f: {  	_ =	swait.ge [sflag:s21], $0x1  }
0xa0: {  	[sflag:s21] =	ssyncset.done $0x0  }
0xa1: {  	s23 =	simm.s32 $0x1B8E;
	s22 =	sld [smem:$0x3FFE];
	[sflag:s21] =	ssyncadd.s32 $0xFFFFFFFF  }
0xa2: {  	s24 =	simm.s32 $execute0_lowered;
	[smem:$0x3FD2] =	sst s23  }
0xa3: {  	s3 =	sshll.u32 s24, $0x1;
	_ =	strace $0x80000049;
	[dreg:$0x1] =	wrdreg $0xFFFFFFFF  }
0xa4: {  	s25 =	simm.s32 $_size_execute0_lowered;
	s1 =	sadd.s32 s1, s3;
	[dreg:$0x0] =	wrdreg $0x0  }
0xa5: {  	s3 =	sshll.u32 s25, $0x1;
	[dreg:$0x2] =	wrdreg s1  }
0xa6: {  	[dreg:$0x3] =	wrdreg s3  }
0xa7: {  	[dreg:$0x4] =	wrdreg $0xC0  }
0xa8: {  	_ =	task [dreg:s5], $0x5FFFF  }
0xa9: {  	[dreg:$0x1] =	wrdreg $0xFFFFFFFF  }
0xaa: {  	[dreg:$0x0] =	wrdreg $0x60  }
0xab: {  	[dreg:$0x2] =	wrdreg s0  }
0xac: {  	[dreg:$0x3] =	wrdreg s22  }
0xad: {  	[dreg:$0x4] =	wrdreg $0x9  }
0xae: {  	_ =	task.clear_ibuf [dreg:s5], $0x5FFFF;
	_ =	strace $0x90000049  }
0xaf: {  	s26 =	simm.s32 $0x9;
	_ =	strace $0x8000004B  }
0xb0: {  	_ =	swait.ge [sflag:s26], $0x1  }
0xb1: {  	[sflag:s26] =	ssyncadd.s32 $0xFFFFFFFF  }
0xb2: {  	_ =	strace $0x9000004B  }
0xb3: {  	_ =	sfence  }
0xb4: {  	s28 =	sld [smem:$0x0];
	_ =	sdelay $0x1  }
0xb5: {  	s29 =	srdreg.scid  }
0xb6: {  	s30 =	sshll.u32 s29, $0xD;
	s31 =	sshrl.u32 s29, $0x2  }
0xb7: {  	s2 =	sand.u32 $0x4000, s30;
	s1 =	sand.u32 $0x1, s29;
	s0 =	sadd.s32 s31, s28  }
0xb8: {  	s1 =	sor.u32 s2, s1;
	s0 =	sshll.u32 s0, $0x11  }
0xb9: {  	s0 =	sor.u32 s0, s1  }
0xba: {  	s0 =	sadd.s32 $0x8F2B, s0  }
0xbb: {  	[sflag:s0] =	ssyncadd.remote.s32 $0x1  }
0xbc: {  	_ =	sfence.sel $0xFFFF  }
0xbd: {  	[dreg:$0x0] =	wrdreg $0xFFFFFFFF;
	(pc) =	sbr.abs _section_cstart, $3  }
0xbe: {  	[dreg:$0x1] =	wrdreg $0xFFFFFFFF  }
0xbf: {  	_ =	task.clear_ibuf [dreg:s5], $0x2FFFF;
	_ =	strace $0x9FFFFFFF  }
0xc0: {  	(tm) =	ssettm $0x7FFFFFFF  }
0xc1: {  	_ =	shalt  }
tec
execute0_lowered:
.L_overlay_start_1:
0x0: {  	(tag) =	ssettag $0x1  }
0x1: {  	s2 =	rddreg [dreg:$0x0]  }
0x2: {  	s8 =	rddreg [dreg:$0x1]  }
0x3: {  	s0 =	rddreg [dreg:$0x2]  }
0x4: {  	_ =	strace $0x8000004A;
	s4 =	simm.s32 $0x1;
	s1 =	stileid.u32  }
0x5: {  	s7 =	simm.s32 $0x1;
	s9 =	simm.s32 $0x1;
	s6 =	simm.s32 $0x2  }
0x6: {  	s10 =	simm.s32 $0x3;
	s13 =	simm.s32 $0x0;
	s12 =	simm.s32 $0x0  }
.Ltmp0:
0x7: {  	s3 =	sadd.s32 $0xCC00, s8;
	p0 =	slt.u32 s1, $0xA;
	(pc) =	sbr.rel .LBB2_1-.Ltmp0, $4  }
0x8: {  	[sflag:s4] =	ssyncpa.u1 $0x0;
	s7 =	simm.s32 @!p0 $0x0;
	p0 =	sne.s32 s1, $0x9  }
0x9: {  	s5 =	smul.u32 $0x3390, s1;
	[sflag:s6] =	ssyncpa.u1 $0x0;
	s9 =	simm.s32 @!p0 $0x0  }
0xa: {  	s8 =	sadd.s32 $0x44000, s8;
	[sflag:s10] =	ssyncpa.u1 $0x0;
	s7 =	sadd.s32 s9, s7  }
0xb: {  	vm0 =	vmmov $0xffff;
	s10 =	simm.s32 $0x0;
	s11 =	smov.u32 s5;
	s9 =	sadd.s32 $0x1, s7  }
.LBB2_4:
0xc: {  	v2 =	vnsel vm1, $0x0, v2  }
0xd: {  	vm1 =	vgt.s32 v0, $0x0;
	v2 =	vmin.u32 v2, $0x5090F  }
0xe: {  	v0 =	vnsel vm1, $0x0, v0  }
0xf: {  	v0 =	vmin.u32 v0, $0x5090F  }
0x10: {  	[tilespmem:s18], [sflag:$0x1] =	stream.indirect_vreg.gather [hbm4b:s2+s10], $0x1, v1, vm0, $0x4038;
	[tilespmem:$0xCE40] =	vst v63  }
0x11: {  	(ifvalue) =	ssetifvalue $0x7FFFFFFF  }
0x12: {  	[tilespmem:s15], [sflag:$0x1] =	stream.indirect_vreg.gather [hbm4b:s2+s10], $0x1, v2, vm0, $0x4038;
	[tilespmem:$0xCE40] =	vst v63  }
0x13: {  	s29 =	sadd.s32 $0x10, s15;
	(ifvalue) =	ssetifvalue $0x7FFFFFFF  }
0x14: {  	[tilespmem:s29], [sflag:$0x1] =	stream.indirect_vreg.gather [hbm4b:s2+s10], $0x1, v0, vm0, $0x4038;
	[tilespmem:$0xCE40] =	vst v63  }
0x15: {  	_ =	swait.ge [sflag:s4], $0x3390  }
0x16: {  	s30 =	sshrl.u32 s13, $0x3;
	[sflag:s4] =	ssyncset.done $0x0  }
0x17: {  	s31 =	sand.u32 $0x7, s13;
	s15 =	sadd.s32 s8, s30;
	[sflag:s4] =	ssyncadd.s32 $0xFFFFCC70  }
0x18: {  	[hbm4b:s15+s31] =	stream.linear.scatter [tilespmem:s14], [sflag:$0x3], $0x3390, $0x38;
	[tilespmem:$0xCE40] =	vst v63  }
.LBB2_5:
0x19: {  	s15 =	sadd.s32 $0x33900, s11  }
0x1a: {  	p1 =	sgt.s32 s15, $0x5090F  }
0x1b: {  	s15 =	smov.u32 @p1 s5;
	p1 =	sne.s32 s12, s9  }
.Ltmp1:
0x1c: {  	p0 =	slt.u32 s12, $0x2;
	(pc) =	sbr.rel @!p1 .LBB2_6-.Ltmp1, $4  }
0x1d: {  	s14 =	simm.s32 @!p0 $0x3  }
0x1e: {  	_ =	swait.ge @!p0 [sflag:s14], $0x3390  }
0x1f: {  	s16 =	sadd.s32 $0x1, s12;
	s13 =	smov.u32 s11;
	[sflag:s14] =	ssyncset.done @!p0 $0x0  }
0x20: {  	s12 =	smov.u32 s16;
	s11 =	smov.u32 s15;
	[sflag:s14] =	ssyncadd.s32 @!p0 $0xFFFFCC70  }
.LBB2_1:
0x21: {  	p0 =	sge.u32 s12, s7  }
0x22: {  	s14 =	sxor.u32 @!p0 $0x1, s12  }
0x23: {  	s14 =	smul.u32 @!p0 $0xCE40, s14  }
0x24: {  	s31 =	sadd.s32 $0xFFFFFFFF, s12;
	s15 =	sshrl.u32 @!p0 s11, $0x3  }
0x25: {  	s16 =	sand.u32 @!p0 $0x7, s11;
	s15 =	sadd.s32 @!p0 s3, s15;
	s14 =	sshra.s32 @!p0 s14, $0x2  }
0x26: {  	[tilespmem:s14], [sflag:$0x2] =	stream.linear.gather @!p0 [hbm4b:s15+s16], $0x3390, $0x38;
	[tilespmem:$0xCE40] =	vst v63  }
0x27: {  	p0 =	sge.u32 s31, s7  }
.Ltmp2:
0x28: {  	_ = 	snop;
	(pc) =	sbr.rel @p0 .LBB2_5-.Ltmp2, $1  }
0x29: {  	_ =	sdelay $0x3  }
0x2a: {  	s14 =	sand.u32 $0x1, s12  }
0x2b: {  	_ =	swait.ge [sflag:s6], $0x3390;
	p0 =	seq.s32 s14, $0x1;
	s14 =	simm.s32 $0x3390  }
0x2c: {  	[sflag:s6] =	ssyncset.done $0x0;
	s14 =	simm.s32 @!p0 $0x0  }
0x2d: {  	[sflag:s6] =	ssyncadd.s32 $0xFFFFCC70;
	(ifvalue) =	ssetifvalue $0x7FFFFFFF;
	v0 =	vld.msk [tilespmem:s14+$0x0 ss:$0x1], $0xffff;
	_ =	sdelay $0x4  }
0x2e: {  	s15 =	sadd.s32 $0x10, s14;
	vm1 =	vgt.s32 v0, $0x0  }
0x2f: {  	v2 =	vld.msk [tilespmem:s15+$0x0 ss:$0x1], $0xffff;
	v1 =	vnsel vm1, $0x0, v0  }
0x30: {  	v1 =	vmin.u32 v1, $0x5090F;
	_ =	sdelay $0x2  }
0x31: {  	s17 =	simm.s32 $0x20;
	s14 =	sadd.s32 $0x6720, s14;
	s16 =	sadd.s32 $0x10, s15  }
0x32: {  	s15 =	sadd.s32 $0x10, s14;
	s18 =	smov.u32 s14;
	v0 =	vld.msk [tilespmem:s16+$0x0 ss:$0x1], $0xffff;
	vm1 =	vgt.s32 v2, $0x0;
	(ifvalue) =	ssetifvalue $0x7FFFFFFF  }
.LBB2_3:
0x33: {  	[tilespmem:s18], [sflag:$0x1] =	stream.indirect_vreg.gather [hbm4b:s2+s10], $0x1, v1, vm0, $0x4038;
	[tilespmem:$0xCE40] =	vst v63  }
0x34: {  	s17 =	sadd.s32 $0x10, s17  }
0x35: {  	v2 =	vnsel vm1, $0x0, v2;
	p0 =	slt.u32 s17, $0x3380  }
.Ltmp3:
0x36: {  	s18 =	smov.u32 s15;
	v1 =	vmin.u32 v2, $0x5090F;
	(pc) =	sbr.rel @p0 .LBB2_3-.Ltmp3, $3  }
0x37: {  	_ =	sdelay $0x1  }
0x38: {  	s16 =	sadd.s32 $0x10, s16  }
0x39: {  	vm1 =	vgt.s32 v0, $0x0;
	s15 =	sadd.s32 $0x10, s15;
	v2 =	vmov v0;
	(ifvalue) =	ssetifvalue $0x7FFFFFFF;
	v0 =	vld.msk [tilespmem:s16+$0x0 ss:$0x1], $0xffff  }
.Ltmp4:
0x3a: {  	_ = 	snop;
	(pc) =	sbr.rel .LBB2_4-.Ltmp4, $1  }
0x3b: {  	_ =	sdelay $0x3  }
.LBB2_6:
0x3c: {  	_ =	sfence.sel $0x180000  }
0x3d: {  	s2 =	simm.s32 $0x2;
	[bflag:$0x0] =	sbarrier.arrive $0xFFFF  }
0x3e: {  	s30 =	simm.s32 $0x3;
	[sflag:s2] =	ssyncpa.u1 $0x1  }
0x3f: {  	s31 =	simm.s32 $0x1;
	[sflag:s30] =	ssyncpa.u1 $0x1  }
0x40: {  	[sflag:s31] =	ssyncpa.u1 $0x1  }
0x41: {  	p0 =	sne.s32 s1, $0x0;
	_ =	strace $0x9000004A  }
0x42: {  	s0 =	sadd.s32 @!p0 $0x100000, s0;
	[bflag:$0x2] =	sbarrier.arrive $0xFFFF  }
0x43: {  	[sflag:s0] =	ssyncadd.tile.s32 @!p0 $0x1;
	_ =	shalt  }
.Lfunc_end2:
_tile_overlayer_lowered:
.L_overlay_start_2:
0x44: {  	(tag) =	ssettag $0x2  }
0x45: {  	s0 =	rddreg [dreg:$0x0];
	s2 =	stileid.u32  }
0x46: {  	s1 =	rddreg [dreg:$0x1];
	p0 =	sne.s32 s2, $0x0  }
0x47: {  	s3 =	rddreg [dreg:$0x2];
	[bflag:$0x3] =	sbarrier.arrive $0xFFFF;
	s2 =	simm.s32 @!p0 $0x1C01  }
0x48: {  	[timem:s3], [sflag:s2] =	dma.local @!p0 [hbm:s0], s1  }
0x49: {  	s0 =	simm.s32 @!p0 $0x1  }
0x4a: {  	_ =	swait.ge @!p0 [sflag:s0], s1  }
0x4b: {  	s1 =	ssub.s32 @!p0 $0x0, s1;
	[sflag:s0] =	ssyncset.done @!p0 $0x0  }
0x4c: {  	[sflag:s0] =	ssyncadd.s32 @!p0 s1  }
0x4d: {  	[bflag:$0x3] =	sbarrier.arrive $0xFFFF  }
0x4e: {  	_ =	shalt  }

</sc_bundles>
